<compile_context>
chip_gen: v7x
topology: tpu7x:2x2x1
jax: 0.10.2.dev20260603
libtpu: 0.0.44.dev20260713+nightly
codegen_flags: <defaults>
</compile_context>

<pallas_src>
import functools

import jax
import jax.numpy as jnp
import numpy as np
from jax import lax
from jax.experimental import pallas as pl
from jax.experimental.pallas import tpu as pltpu
from jax.experimental.pallas import tpu_sc as plsc

B = 2
N = 16384
C = 256
NPTS = 512
NV = B * NPTS
MLP_HID = 128
SA_HID = 128
SA_OUT = 256
AGG_OUT = 512
NS0 = 16
NS1 = 32
R0SQ = 0.8 * 0.8
R1SQ = 1.6 * 1.6
NLANE = 16
SUPER = 16
NWORK = 32
VPW = NV // NWORK
BNSCALE = 1.0 / np.sqrt(1.0 + 1e-5)


def _vote_kernel(feat_ref, sxyz_ref, w1t_ref, b1_ref, bn1g_ref, bn1b_ref,
                 w2t_ref, b2_ref,
                 w1x0t_ref, b10_ref, w1x1t_ref, b11_ref,
                 off_ref, vp_ref, t0_ref, t1_ref):
    hp = (jnp.dot(feat_ref[...], w1t_ref[...],
                  preferred_element_type=jnp.float32)
          + b1_ref[...])
    h = jnp.maximum(bn1g_ref[...] * hp / jnp.sqrt(jnp.float32(1.0 + 1e-5))
                    + bn1b_ref[...], 0.0)
    off = jnp.dot(h, w2t_ref[...], preferred_element_type=jnp.float32) + b2_ref[...]
    col = lax.broadcasted_iota(jnp.int32, (1, 3), 1)
    bounds = jnp.where(col == 2, 2.0, 3.0).astype(jnp.float32)
    lim = jnp.clip(off, -bounds, bounds)
    vp = sxyz_ref[...] + lim
    off_ref[...] = off
    vp_ref[...] = vp
    t0_ref[...] = b10_ref[...] - jnp.dot(vp, w1x0t_ref[...],
                                         preferred_element_type=jnp.float32)
    t1_ref[...] = b11_ref[...] - jnp.dot(vp, w1x1t_ref[...],
                                         preferred_element_type=jnp.float32)


def _run_votes(seed_feat, seed_xyz, w1t, b1, bn1g, bn1b, w2t, b2,
               w1x0t, b10, w1x1t, b11):
    return pl.pallas_call(
        _vote_kernel,
        out_shape=(
            jax.ShapeDtypeStruct((NV, 3), jnp.float32),
            jax.ShapeDtypeStruct((NV, 3), jnp.float32),
            jax.ShapeDtypeStruct((NV, SA_HID), jnp.float32),
            jax.ShapeDtypeStruct((NV, SA_HID), jnp.float32),
        ),
    )(seed_feat, seed_xyz, w1t, b1, bn1g, bn1b, w2t, b2,
      w1x0t, b10, w1x1t, b11)


def _proj_kernel(xyz_ref, feat_ref, w1x0t_ref, w1f0t_ref, w1x1t_ref, w1f1t_ref,
                 q0_ref, q1_ref):
    xyz = xyz_ref[...]
    ft = feat_ref[...]
    q0_ref[...] = (jnp.dot(ft, w1f0t_ref[...], preferred_element_type=jnp.float32)
                   + jnp.dot(xyz, w1x0t_ref[...], preferred_element_type=jnp.float32))
    q1_ref[...] = (jnp.dot(ft, w1f1t_ref[...], preferred_element_type=jnp.float32)
                   + jnp.dot(xyz, w1x1t_ref[...], preferred_element_type=jnp.float32))


def _run_proj(xyz_all, feats, w1x0t, w1f0t, w1x1t, w1f1t):
    blk = 2048
    grid = (B * N) // blk
    return pl.pallas_call(
        _proj_kernel,
        grid=(grid,),
        in_specs=[
            pl.BlockSpec((blk, 3), lambda i: (i, 0)),
            pl.BlockSpec((blk, C), lambda i: (i, 0)),
            pl.BlockSpec((3, SA_HID), lambda i: (0, 0)),
            pl.BlockSpec((C, SA_HID), lambda i: (0, 0)),
            pl.BlockSpec((3, SA_HID), lambda i: (0, 0)),
            pl.BlockSpec((C, SA_HID), lambda i: (0, 0)),
        ],
        out_specs=(
            pl.BlockSpec((blk, SA_HID), lambda i: (i, 0)),
            pl.BlockSpec((blk, SA_HID), lambda i: (i, 0)),
        ),
        out_shape=(
            jax.ShapeDtypeStruct((B * N, SA_HID), jnp.float32),
            jax.ShapeDtypeStruct((B * N, SA_HID), jnp.float32),
        ),
    )(xyz_all, feats, w1x0t, w1f0t, w1x1t, w1f1t)


_PCH = 1024
_NCH = N // _PCH
_ECH = 256


def _ball_tc_kernel(vp_ref, xyzt_ref, triu_ref, idx0_ref, idx1_ref):
    f32 = jnp.float32
    vp = vp_ref[0]
    tri = triu_ref[...]
    col16 = lax.broadcasted_iota(jnp.int32, (1, NS0), 1)
    col32 = lax.broadcasted_iota(jnp.int32, (1, NS1), 1)
    piota = lax.broadcasted_iota(jnp.int32, (1, _PCH), 1).astype(f32)

    def chunk_work(ch, carry):
        prev0, prev1, acc0, acc1 = carry
        pts = xyzt_ref[0, :, pl.ds(ch * _PCH, _PCH)]
        dx = vp[:, 0:1] - pts[0:1, :]
        dy = vp[:, 1:2] - pts[1:2, :]
        dz = vp[:, 2:3] - pts[2:3, :]
        d2 = dx * dx + dy * dy + dz * dz
        pidx = piota + (ch * _PCH)
        wi0 = (d2 <= R0SQ).astype(f32)
        wi1 = (d2 <= R1SQ).astype(f32)
        cc0 = jnp.sum(wi0, axis=1, keepdims=True)
        cc1 = jnp.sum(wi1, axis=1, keepdims=True)
        np0 = prev0 + cc0
        np1 = prev1 + cc1

        def bounds(prev, npost, cc, cap):
            gain = (prev < cap) & (cc > 0.0)
            lo = jnp.min(jnp.where(gain, prev, jnp.float32(cap))) + 1.0
            hi = jnp.max(jnp.where(gain, jnp.minimum(npost, jnp.float32(cap)),
                                   0.0))
            return lo.astype(jnp.int32), hi.astype(jnp.int32)

        lo0, hi0 = bounds(prev0, np0, cc0, NS0)
        lo1, hi1 = bounds(prev1, np1, cc1, NS1)

        def extract(wi, prev, lo, hi, col):
            def work(a):
                cs = jnp.dot(wi, tri, preferred_element_type=f32) + prev
                t = jnp.where(wi > 0.0, cs, 0.0)

                def slot(s, acc):
                    contrib = jnp.sum(
                        jnp.where(t == s.astype(f32), pidx, 0.0),
                        axis=1, keepdims=True)
                    return acc + jnp.where(col == s - 1, contrib, 0.0)

                return lax.fori_loop(lo, hi + 1, slot, a)

            return work

        acc0 = lax.cond(hi0 >= lo0, extract(wi0, prev0, lo0, hi0, col16),
                        lambda a: a, acc0)
        acc1 = lax.cond(hi1 >= lo1, extract(wi1, prev1, lo1, hi1, col32),
                        lambda a: a, acc1)
        return (np0, np1, acc0, acc1)

    def chunk(ch, carry):
        prev0, prev1 = carry[0], carry[1]
        active = (jnp.min(prev0) < NS0) | (jnp.min(prev1) < NS1)
        return lax.cond(active, lambda c: chunk_work(ch, c), lambda c: c,
                        carry)

    z1 = jnp.zeros((NPTS, 1), f32)
    cnt0, cnt1, acc0, acc1 = lax.fori_loop(
        0, _NCH, chunk,
        (z1, z1, jnp.zeros((NPTS, NS0), f32), jnp.zeros((NPTS, NS1), f32)))

    first0 = acc0[:, 0:1]
    out0 = jnp.where(col16.astype(f32) < cnt0, acc0, first0)
    first1 = acc1[:, 0:1]
    out1 = jnp.where(col32.astype(f32) < cnt1, acc1, first1)
    idx0_ref[...] = out0.astype(jnp.int32)[None]
    idx1_ref[...] = out1.astype(jnp.int32)[None]


def _ball_query_tc(vp3, xyzt, triu):
    nb = vp3.shape[0]
    return pl.pallas_call(
        _ball_tc_kernel,
        grid=(nb,),
        in_specs=[
            pl.BlockSpec((1, NPTS, 3), lambda b: (b, 0, 0)),
            pl.BlockSpec((1, 3, N), lambda b: (b, 0, 0)),
            pl.BlockSpec((_PCH, _PCH), lambda b: (0, 0)),
        ],
        out_specs=(
            pl.BlockSpec((1, NPTS, NS0), lambda b: (b, 0, 0)),
            pl.BlockSpec((1, NPTS, NS1), lambda b: (b, 0, 0)),
        ),
        out_shape=(
            jax.ShapeDtypeStruct((nb, NPTS, NS0), jnp.int32),
            jax.ShapeDtypeStruct((nb, NPTS, NS1), jnp.int32),
        ),
    )(vp3, xyzt, triu)


_GCHUNK = 128


def _gather_body(q0_hbm, q1_hbm, idx0_hbm, idx1_hbm, g0_hbm, g1_hbm,
                 idxv, rows0, rows1, sem0, sem1):
    wid = lax.axis_index("s") * 2 + lax.axis_index("c")
    n0 = idx0_hbm.shape[0] // NWORK
    n1 = idx1_hbm.shape[0] // NWORK
    pltpu.sync_copy(idx0_hbm.at[pl.ds(wid * n0, n0)], idxv.at[pl.ds(0, n0)])
    pltpu.sync_copy(idx1_hbm.at[pl.ds(wid * n1, n1)], idxv.at[pl.ds(n0, n1)])

    nch = (n0 + n1) // _GCHUNK

    def chunk_src(k):
        off = k * _GCHUNK
        if off < n0:
            return q0_hbm, g0_hbm, wid * n0 + off
        return q1_hbm, g1_hbm, wid * n1 + (off - n0)

    rows = [rows0, rows1]
    sems = [sem0, sem1]

    def fire(k):
        q, _, _ = chunk_src(k)
        bb = k % 2
        return pltpu.async_copy(q.at[idxv.at[pl.ds(k * _GCHUNK, _GCHUNK)]],
                                rows[bb], sems[bb])

    cp = fire(0)
    for k in range(nch):
        nxt = fire(k + 1) if k + 1 < nch else None
        cp.wait()
        _, gout, goff = chunk_src(k)
        pltpu.sync_copy(rows[k % 2], gout.at[pl.ds(goff, _GCHUNK)])
        cp = nxt


def _gather_sc(q0, q1, idx0, idx1):
    mesh = plsc.VectorSubcoreMesh(core_axis_name="c", subcore_axis_name="s",
                                  num_cores=2, num_subcores=16)
    f = pl.kernel(
        _gather_body,
        out_type=(
            jax.ShapeDtypeStruct((idx0.shape[0], SA_HID), jnp.float32),
            jax.ShapeDtypeStruct((idx1.shape[0], SA_HID), jnp.float32),
        ),
        mesh=mesh,
        scratch_types=[
            pltpu.VMEM(((idx0.shape[0] + idx1.shape[0]) // NWORK,), jnp.int32),
            pltpu.VMEM((_GCHUNK, SA_HID), jnp.float32),
            pltpu.VMEM((_GCHUNK, SA_HID), jnp.float32),
            pltpu.SemaphoreType.DMA,
            pltpu.SemaphoreType.DMA,
        ],
    )
    return f(q0, q1, idx0, idx1)


def _head_kernel(g0_ref, g1_ref, t0_ref, t1_ref, w20t_ref, b20_ref,
                 w21t_ref, b21_ref, wot_ref, bo_ref, out_ref):
    vt = t0_ref.shape[0]

    def branch(g_ref, t_ref, w2t_ref, b2_ref, ns):
        g = g_ref[...].reshape(vt, ns, SA_HID)
        h = jnp.maximum(g + t_ref[...][:, None, :], 0.0)
        a = jnp.dot(h.reshape(vt * ns, SA_HID), w2t_ref[...],
                    preferred_element_type=jnp.float32)
        h2 = jnp.maximum(a + b2_ref[...], 0.0).reshape(vt, ns, SA_OUT)
        p = h2[:, 0, :]
        for k in range(1, ns):
            p = jnp.maximum(p, h2[:, k, :])
        return p

    p0 = branch(g0_ref, t0_ref, w20t_ref, b20_ref, NS0)
    p1 = branch(g1_ref, t1_ref, w21t_ref, b21_ref, NS1)
    pc = jnp.concatenate([p0, p1], axis=-1)
    out_ref[...] = jnp.maximum(
        jnp.dot(pc, wot_ref[...], preferred_element_type=jnp.float32)
        + bo_ref[...], 0.0)


def _run_head(g0, g1, t0, t1, w20t, b20, w21t, b21, wot, bo):
    vt = 128
    nv = t0.shape[0]
    grid = nv // vt
    return pl.pallas_call(
        _head_kernel,
        grid=(grid,),
        in_specs=[
            pl.BlockSpec((vt * NS0, SA_HID), lambda i: (i, 0)),
            pl.BlockSpec((vt * NS1, SA_HID), lambda i: (i, 0)),
            pl.BlockSpec((vt, SA_HID), lambda i: (i, 0)),
            pl.BlockSpec((vt, SA_HID), lambda i: (i, 0)),
            pl.BlockSpec((SA_HID, SA_OUT), lambda i: (0, 0)),
            pl.BlockSpec((1, SA_OUT), lambda i: (0, 0)),
            pl.BlockSpec((SA_HID, SA_OUT), lambda i: (0, 0)),
            pl.BlockSpec((1, SA_OUT), lambda i: (0, 0)),
            pl.BlockSpec((2 * SA_OUT, AGG_OUT), lambda i: (0, 0)),
            pl.BlockSpec((1, AGG_OUT), lambda i: (0, 0)),
        ],
        out_specs=pl.BlockSpec((vt, AGG_OUT), lambda i: (i, 0)),
        out_shape=jax.ShapeDtypeStruct((nv, AGG_OUT), jnp.float32),
    )(g0, g1, t0, t1, w20t, b20, w21t, b21, wot, bo)


def kernel(point_coords, point_features, batch_size, vote_w1, vote_b1,
           vote_bn1_g, vote_bn1_b, vote_w2, vote_b2, sa0_w1, sa0_bn1_g,
           sa0_bn1_b, sa0_w2, sa0_bn2_g, sa0_bn2_b, sa1_w1, sa1_bn1_g,
           sa1_bn1_b, sa1_w2, sa1_bn2_g, sa1_bn2_b, out_w, out_bn_g,
           out_bn_b):
    f32 = jnp.float32
    s = jnp.asarray(BNSCALE, f32)

    w1v = vote_w1 * (vote_bn1_g * s)[:, None]
    b1v = (vote_bn1_g * s * vote_b1 + vote_bn1_b)[None, :]
    w1e0 = sa0_w1 * (sa0_bn1_g * s)[:, None]
    w1e1 = sa1_w1 * (sa1_bn1_g * s)[:, None]
    w2e0t = (sa0_w2 * (sa0_bn2_g * s)[:, None]).T
    w2e1t = (sa1_w2 * (sa1_bn2_g * s)[:, None]).T
    b20 = sa0_bn2_b[None, :]
    b21 = sa1_bn2_b[None, :]
    wot = (out_w * (out_bn_g * s)[:, None]).T
    bo = out_bn_b[None, :]

    xyz_all = point_coords[:, 1:4]
    feats = point_features
    seed_xyz = xyz_all.reshape(B, N, 3)[:, :NPTS].reshape(NV, 3)
    seed_feat = feats.reshape(B, N, C)[:, :NPTS].reshape(NV, C)

    off, vp, t0, t1 = _run_votes(
        seed_feat, seed_xyz, vote_w1.T, vote_b1[None, :],
        vote_bn1_g[None, :], vote_bn1_b[None, :], vote_w2.T,
        vote_b2[None, :],
        w1e0[:, :3].T, sa0_bn1_b[None, :], w1e1[:, :3].T, sa1_bn1_b[None, :])

    xyzt = jnp.transpose(xyz_all.reshape(B, N, 3), (0, 2, 1))
    triu = jnp.triu(jnp.ones((_PCH, _PCH), jnp.float32))
    q0, q1 = _run_proj(xyz_all, feats, w1e0[:, :3].T, w1e0[:, 3:].T,
                       w1e1[:, :3].T, w1e1[:, 3:].T)
    vp3 = vp.reshape(B, NPTS, 3)
    t03 = t0.reshape(B, NPTS, SA_HID)
    t13 = t1.reshape(B, NPTS, SA_HID)
    cfs = []
    for b in range(B):
        i0, i1 = _ball_query_tc(vp3[b:b + 1], xyzt[b:b + 1], triu)
        i0 = (i0 + b * N).reshape(-1)
        i1 = (i1 + b * N).reshape(-1)
        g0, g1 = _gather_sc(q0, q1, i0, i1)
        cfs.append(_run_head(g0, g1, t03[b], t13[b], w2e0t, b20, w2e1t,
                             b21, wot, bo))
    cf = jnp.concatenate(cfs, axis=0)

    bs_res = (jnp.asarray(batch_size) - B).astype(f32)
    ctr_idx = jnp.repeat(jnp.arange(B, dtype=f32), NPTS)[:, None] + bs_res
    ctr_offsets = jnp.concatenate([ctr_idx, off], axis=1)
    centers = jnp.concatenate([ctr_idx, vp], axis=1)
    centers_origin = jnp.concatenate([ctr_idx, seed_xyz], axis=1)
    return (ctr_offsets, centers, centers_origin, cf)

# --- scband reference (transcript-rebuilt; emitter-appended) ---
"""Pipeline reference for scband-vote-module-71468255806060 (READ-ONLY COPY).

The authoritative reference and input builder live on the scoring server;
editing this copy changes nothing except your own understanding.
"""

import jax, jax.numpy as jnp
import numpy as np

B = 2
N = 16384
C = 256
NPTS = 512
VOTE_RANGE = (3.0, 3.0, 2.0)
RADII = (0.8, 1.6)
NSAMPLES = (16, 32)
MLP_HID = 128
SA_IN = C + 3
SA_HID = 128
SA_OUT = 256
AGG_OUT = 512

def _bn(x, g, b, ch_axis):
    shp = [1] * x.ndim
    shp[ch_axis] = -1
    return g.reshape(shp) * x / jnp.sqrt(1.0 + 1e-5) + b.reshape(shp)

def setup_inputs(seed: int = 0):
    key = jax.random.key(seed)
    ks = jax.random.split(key, 12)
    inp = {}
    inp['point_coords'] = jax.random.normal(ks[0], (B * N, 4), dtype=jnp.float32)
    inp['point_features'] = jax.random.normal(ks[1], (B * N, C), dtype=jnp.float32) * 0.1
    inp['batch_size'] = B
    inp['vote_w1'] = jax.random.normal(ks[2], (MLP_HID, C), dtype=jnp.float32) / np.sqrt(C)
    inp['vote_b1'] = jnp.zeros((MLP_HID,), jnp.float32)
    inp['vote_bn1_g'] = jnp.ones((MLP_HID,), jnp.float32)
    inp['vote_bn1_b'] = jnp.zeros((MLP_HID,), jnp.float32)
    inp['vote_w2'] = jax.random.normal(ks[3], (3, MLP_HID), dtype=jnp.float32) / np.sqrt(MLP_HID)
    inp['vote_b2'] = jnp.zeros((3,), jnp.float32)
    for s in range(2):
        inp['sa%d_w1' % s] = jax.random.normal(ks[4 + 2 * s], (SA_HID, SA_IN), dtype=jnp.float32) / np.sqrt(SA_IN)
        inp['sa%d_bn1_g' % s] = jnp.ones((SA_HID,), jnp.float32)
        inp['sa%d_bn1_b' % s] = jnp.zeros((SA_HID,), jnp.float32)
        inp['sa%d_w2' % s] = jax.random.normal(ks[5 + 2 * s], (SA_OUT, SA_HID), dtype=jnp.float32) / np.sqrt(SA_HID)
        inp['sa%d_bn2_g' % s] = jnp.ones((SA_OUT,), jnp.float32)
        inp['sa%d_bn2_b' % s] = jnp.zeros((SA_OUT,), jnp.float32)
    inp['out_w'] = jax.random.normal(ks[8], (AGG_OUT, 2 * SA_OUT), dtype=jnp.float32) / np.sqrt(2 * SA_OUT)
    inp['out_bn_g'] = jnp.ones((AGG_OUT,), jnp.float32)
    inp['out_bn_b'] = jnp.zeros((AGG_OUT,), jnp.float32)
    return inp

def _forward(point_coords, point_features, batch_size, vote_w1, vote_b1, vote_bn1_g, vote_bn1_b, vote_w2, vote_b2, sa0_w1, sa0_bn1_g, sa0_bn1_b, sa0_w2, sa0_bn2_g, sa0_bn2_b, sa1_w1, sa1_bn1_g, sa1_bn1_b, sa1_w2, sa1_bn2_g, sa1_bn2_b, out_w, out_bn_g, out_bn_b):
    bs = point_coords.shape[0] // N
    bs_residual = (jnp.asarray(batch_size) - bs).astype(jnp.float32)
    xyz = point_coords.reshape(bs, -1, 4)[..., 1:]
    feats = point_features.reshape(bs, -1, C)
    feats_cf = jnp.transpose(feats, (0, 2, 1))
    seed_xyz = xyz[:, :NPTS, :]
    seed_feat = feats_cf[:, :, :NPTS]
    h = jnp.einsum('oc,bcn->bon', vote_w1, seed_feat) + vote_b1[None, :, None]
    h = jax.nn.relu(_bn(h, vote_bn1_g, vote_bn1_b, 1))
    votes = jnp.einsum('oc,bcn->bon', vote_w2, h) + vote_b2[None, :, None]
    votes = jnp.transpose(votes, (0, 2, 1))
    seed_offset = votes[:, :, :3]
    lim = jnp.stack([jnp.clip(seed_offset[..., a], -VOTE_RANGE[a], VOTE_RANGE[a]) for a in range(3)], axis=-1)
    vote_points = seed_xyz + lim
    dist2 = jnp.sum((vote_points[:, :, None, :] - xyz[:, None, :, :]) ** 2, axis=-1)
    Ntot = xyz.shape[1]
    arangeN = jnp.arange(Ntot)
    sa_params = [(sa0_w1, sa0_bn1_g, sa0_bn1_b, sa0_w2, sa0_bn2_g, sa0_bn2_b), (sa1_w1, sa1_bn1_g, sa1_bn1_b, sa1_w2, sa1_bn2_g, sa1_bn2_b)]
    pooled_list = []
    for r, ns, (w1, g1, b1, w2, g2, b2) in zip(RADII, NSAMPLES, sa_params):
        within = dist2 <= r * r
        idx = jnp.where(within, arangeN[None, None, :], Ntot)
        idx = jnp.sort(idx, axis=-1)[..., :ns]
        first = idx[..., :1]
        idx = jnp.where(idx == Ntot, first, idx)
        idx = jnp.where(idx == Ntot, 0, idx)
        g_xyz = jax.vmap(lambda pts, i: pts[i])(xyz, idx) - vote_points[:, :, None, :]
        g_feat = jax.vmap(lambda f, i: f[i])(feats, idx)
        grouped = jnp.concatenate([g_xyz, g_feat], axis=-1)
        h1 = jax.nn.relu(_bn(grouped @ w1.T, g1, b1, -1))
        h2 = jax.nn.relu(_bn(h1 @ w2.T, g2, b2, -1))
        pooled_list.append(jnp.max(h2, axis=2))
    pooled = jnp.concatenate(pooled_list, axis=-1)
    agg = jax.nn.relu(_bn(pooled @ out_w.T, out_bn_g, out_bn_b, -1))
    ctr_idx = jnp.repeat(jnp.arange(bs, dtype=jnp.float32), NPTS)[:, None] + bs_residual
    ctr_offsets = jnp.concatenate([ctr_idx, seed_offset.reshape(-1, 3)], axis=1)
    centers = jnp.concatenate([ctr_idx, vote_points.reshape(-1, 3)], axis=1)
    centers_origin = jnp.concatenate([ctr_idx, seed_xyz.reshape(-1, 3)], axis=1)
    center_features = agg.reshape(-1, AGG_OUT)
    return (ctr_offsets, centers, centers_origin, center_features)

def reference(point_coords, point_features, batch_size, vote_w1, vote_b1, vote_bn1_g, vote_bn1_b, vote_w2, vote_b2, sa0_w1, sa0_bn1_g, sa0_bn1_b, sa0_w2, sa0_bn2_g, sa0_bn2_b, sa1_w1, sa1_bn1_g, sa1_bn1_b, sa1_w2, sa1_bn2_g, sa1_bn2_b, out_w, out_bn_g, out_bn_b):
    return _forward(point_coords, point_features, batch_size, vote_w1, vote_b1, vote_bn1_g, vote_bn1_b, vote_w2, vote_b2, sa0_w1, sa0_bn1_g, sa0_bn1_b, sa0_w2, sa0_bn2_g, sa0_bn2_b, sa1_w1, sa1_bn1_g, sa1_bn1_b, sa1_w2, sa1_bn2_g, sa1_bn2_b, out_w, out_bn_g, out_bn_b)

if __name__ == "__main__":
    import jax
    _d = setup_inputs()
    print(jax.jit(kernel)(*tuple(_d.values())))

</pallas_src>

<mosaic_0001>
#map = affine_map<(d0, d1) -> (0, 0)>
#map1 = affine_map<(d0, d1) -> (0)>
module attributes {stable_mosaic.version = 14 : i64} {
  func.func @_gather_body(%arg0: i32, %arg1: i32, %arg2: memref<32768x128xf32, #tpu.memory_space<hbm>>, %arg3: memref<32768x128xf32, #tpu.memory_space<hbm>>, %arg4: memref<8192xi32, #tpu.memory_space<hbm>>, %arg5: memref<16384xi32, #tpu.memory_space<hbm>>, %arg6: memref<8192x128xf32, #tpu.memory_space<hbm>>, %arg7: memref<16384x128xf32, #tpu.memory_space<hbm>>, %arg8: memref<768xi32, #tpu.memory_space<vmem>>, %arg9: memref<128x128xf32, #tpu.memory_space<vmem>>, %arg10: memref<128x128xf32, #tpu.memory_space<vmem>>, %arg11: memref<!tpu.dma_semaphore, #tpu.memory_space<semaphore_mem>>, %arg12: memref<!tpu.dma_semaphore, #tpu.memory_space<semaphore_mem>>) attributes {dimension_semantics = [#tpu.dimension_semantics<core_parallel>, #tpu.dimension_semantics<subcore_parallel>], iteration_bounds = array<i64: 2, 16>, scalar_prefetch = 0 : i64, scratch_operands = 5 : i64, tpu.core_type = #tpu.core_type<sc_vector_subcore>, window_params = [{transform_indices = #map}, {transform_indices = #map}, {transform_indices = #map1}, {transform_indices = #map1}, {transform_indices = #map}, {transform_indices = #map}]} {
    %mul3A = arith.constant 2 : i32
    %mul3A_0 = arith.muli %arg1, %mul3A : i32
    %add3A = arith.addi %mul3A_0, %arg0 : i32
    %mul3A_1 = arith.constant 256 : i32
    %mul3A_2 = arith.muli %add3A, %mul3A_1 : i32
    "tpu.region"() ({
      %run_scoped3A = tpu.sem_alloc : memref<!tpu.dma_semaphore, #tpu.memory_space<semaphore_mem>>
      %dma_start3A_111 = arith.constant 0 : i32
      %dma_start3A_112 = tpu.memref_slice %arg8[%dma_start3A_111] : memref<768xi32, #tpu.memory_space<vmem>> -> memref<256xi32, #tpu.memory_space<vmem>>
      %dma_start3A_113 = tpu.memref_slice %arg4[%mul3A_2] : memref<8192xi32, #tpu.memory_space<hbm>> -> memref<256xi32, #tpu.memory_space<hbm>>
      %dma_start3A_114 = arith.constant 0 : i32
      %dma_start3A_115 = tpu.memref_slice %arg8[%dma_start3A_114] : memref<768xi32, #tpu.memory_space<vmem>> -> memref<256xi32, #tpu.memory_space<vmem>>
      %dma_start3A_116 = tpu.memref_slice %arg4[%mul3A_2] : memref<8192xi32, #tpu.memory_space<hbm>> -> memref<256xi32, #tpu.memory_space<hbm>>
      tpu.enqueue_dma source(%dma_start3A_116 : memref<256xi32, #tpu.memory_space<hbm>>) target(%dma_start3A_115 : memref<256xi32, #tpu.memory_space<vmem>>) target_semaphore(%run_scoped3A : memref<!tpu.dma_semaphore, #tpu.memory_space<semaphore_mem>>)
      %dma_wait3A_117 = arith.constant 0 : i32
      %dma_wait3A_118 = tpu.memref_slice %arg8[%dma_wait3A_117] : memref<768xi32, #tpu.memory_space<vmem>> -> memref<256xi32, #tpu.memory_space<vmem>>
      %dma_wait3A_119 = tpu.memref_slice %arg4[%mul3A_2] : memref<8192xi32, #tpu.memory_space<hbm>> -> memref<256xi32, #tpu.memory_space<hbm>>
      %dma_wait3A_120 = arith.constant 0 : i32
      %dma_wait3A_121 = tpu.memref_slice %arg8[%dma_wait3A_120] : memref<768xi32, #tpu.memory_space<vmem>> -> memref<256xi32, #tpu.memory_space<vmem>>
      %dma_wait3A_122 = tpu.memref_slice %arg4[%mul3A_2] : memref<8192xi32, #tpu.memory_space<hbm>> -> memref<256xi32, #tpu.memory_space<hbm>>
      tpu.wait_dma2 semaphore(%run_scoped3A : memref<!tpu.dma_semaphore, #tpu.memory_space<semaphore_mem>>) src(%dma_wait3A_122 : memref<256xi32, #tpu.memory_space<hbm>>) dst(%dma_wait3A_121 : memref<256xi32, #tpu.memory_space<vmem>>)
      tpu.yield
    }) : () -> ()
    %mul3A_3 = arith.constant 512 : i32
    %mul3A_4 = arith.muli %add3A, %mul3A_3 : i32
    "tpu.region"() ({
      %run_scoped3A = tpu.sem_alloc : memref<!tpu.dma_semaphore, #tpu.memory_space<semaphore_mem>>
      %dma_start3A_111 = arith.constant 256 : i32
      %dma_start3A_112 = tpu.memref_slice %arg8[%dma_start3A_111] : memref<768xi32, #tpu.memory_space<vmem>> -> memref<512xi32, #tpu.memory_space<vmem>>
      %dma_start3A_113 = tpu.memref_slice %arg5[%mul3A_4] : memref<16384xi32, #tpu.memory_space<hbm>> -> memref<512xi32, #tpu.memory_space<hbm>>
      %dma_start3A_114 = arith.constant 256 : i32
      %dma_start3A_115 = tpu.memref_slice %arg8[%dma_start3A_114] : memref<768xi32, #tpu.memory_space<vmem>> -> memref<512xi32, #tpu.memory_space<vmem>>
      %dma_start3A_116 = tpu.memref_slice %arg5[%mul3A_4] : memref<16384xi32, #tpu.memory_space<hbm>> -> memref<512xi32, #tpu.memory_space<hbm>>
      tpu.enqueue_dma source(%dma_start3A_116 : memref<512xi32, #tpu.memory_space<hbm>>) target(%dma_start3A_115 : memref<512xi32, #tpu.memory_space<vmem>>) target_semaphore(%run_scoped3A : memref<!tpu.dma_semaphore, #tpu.memory_space<semaphore_mem>>)
      %dma_wait3A_117 = arith.constant 256 : i32
      %dma_wait3A_118 = tpu.memref_slice %arg8[%dma_wait3A_117] : memref<768xi32, #tpu.memory_space<vmem>> -> memref<512xi32, #tpu.memory_space<vmem>>
      %dma_wait3A_119 = tpu.memref_slice %arg5[%mul3A_4] : memref<16384xi32, #tpu.memory_space<hbm>> -> memref<512xi32, #tpu.memory_space<hbm>>
      %dma_wait3A_120 = arith.constant 256 : i32
      %dma_wait3A_121 = tpu.memref_slice %arg8[%dma_wait3A_120] : memref<768xi32, #tpu.memory_space<vmem>> -> memref<512xi32, #tpu.memory_space<vmem>>
      %dma_wait3A_122 = tpu.memref_slice %arg5[%mul3A_4] : memref<16384xi32, #tpu.memory_space<hbm>> -> memref<512xi32, #tpu.memory_space<hbm>>
      tpu.wait_dma2 semaphore(%run_scoped3A : memref<!tpu.dma_semaphore, #tpu.memory_space<semaphore_mem>>) src(%dma_wait3A_122 : memref<512xi32, #tpu.memory_space<hbm>>) dst(%dma_wait3A_121 : memref<512xi32, #tpu.memory_space<vmem>>)
      tpu.yield
    }) : () -> ()
    %mul3A_5 = arith.constant 256 : i32
    %mul3A_6 = arith.muli %add3A, %mul3A_5 : i32
    %add3A_7 = arith.constant 0 : i32
    %add3A_8 = arith.addi %mul3A_6, %add3A_7 : i32
    %dma_start3A = arith.constant 0 : i32
    %dma_start3A_9 = tpu.memref_slice %arg8[%dma_start3A] : memref<768xi32, #tpu.memory_space<vmem>> -> memref<128xi32, #tpu.memory_space<vmem>>
    %dma_start3A_10 = arith.constant 0 : i32
    %dma_start3A_11 = arith.constant 0 : i32
    %dma_start3A_12 = tpu.memref_slice %arg2[%dma_start3A_10, %dma_start3A_11] : memref<32768x128xf32, #tpu.memory_space<hbm>> -> memref<32768x128xf32, #tpu.memory_space<hbm>>
    tpu.enqueue_indirect_dma source(%dma_start3A_12 : memref<32768x128xf32, #tpu.memory_space<hbm>>) target(%arg9 : memref<128x128xf32, #tpu.memory_space<vmem>>) offsets(%dma_start3A_9 : memref<128xi32, #tpu.memory_space<vmem>>) semaphore(%arg11 : memref<!tpu.dma_semaphore, #tpu.memory_space<semaphore_mem>>)
    %mul3A_13 = arith.constant 256 : i32
    %mul3A_14 = arith.muli %add3A, %mul3A_13 : i32
    %add3A_15 = arith.constant 128 : i32
    %add3A_16 = arith.addi %mul3A_14, %add3A_15 : i32
    %dma_start3A_17 = arith.constant 128 : i32
    %dma_start3A_18 = tpu.memref_slice %arg8[%dma_start3A_17] : memref<768xi32, #tpu.memory_space<vmem>> -> memref<128xi32, #tpu.memory_space<vmem>>
    %dma_start3A_19 = arith.constant 0 : i32
    %dma_start3A_20 = arith.constant 0 : i32
    %dma_start3A_21 = tpu.memref_slice %arg2[%dma_start3A_19, %dma_start3A_20] : memref<32768x128xf32, #tpu.memory_space<hbm>> -> memref<32768x128xf32, #tpu.memory_space<hbm>>
    tpu.enqueue_indirect_dma source(%dma_start3A_21 : memref<32768x128xf32, #tpu.memory_space<hbm>>) target(%arg10 : memref<128x128xf32, #tpu.memory_space<vmem>>) offsets(%dma_start3A_18 : memref<128xi32, #tpu.memory_space<vmem>>) semaphore(%arg12 : memref<!tpu.dma_semaphore, #tpu.memory_space<semaphore_mem>>)
    %dma_wait3A = arith.constant 0 : i32
    %dma_wait3A_22 = tpu.memref_slice %arg8[%dma_wait3A] : memref<768xi32, #tpu.memory_space<vmem>> -> memref<128xi32, #tpu.memory_space<vmem>>
    %dma_wait3A_23 = arith.constant 0 : i32
    %dma_wait3A_24 = arith.constant 0 : i32
    %dma_wait3A_25 = tpu.memref_slice %arg2[%dma_wait3A_23, %dma_wait3A_24] : memref<32768x128xf32, #tpu.memory_space<hbm>> -> memref<32768x128xf32, #tpu.memory_space<hbm>>
    tpu.wait_indirect_dma semaphore(%arg11 : memref<!tpu.dma_semaphore, #tpu.memory_space<semaphore_mem>>) src(%dma_wait3A_25 : memref<32768x128xf32, #tpu.memory_space<hbm>>) dst(%arg9 : memref<128x128xf32, #tpu.memory_space<vmem>>)
    %mul3A_26 = arith.constant 256 : i32
    %mul3A_27 = arith.muli %add3A, %mul3A_26 : i32
    %add3A_28 = arith.constant 0 : i32
    %add3A_29 = arith.addi %mul3A_27, %add3A_28 : i32
    "tpu.region"() ({
      %run_scoped3A = tpu.sem_alloc : memref<!tpu.dma_semaphore, #tpu.memory_space<semaphore_mem>>
      %dma_start3A_111 = arith.constant 0 : i32
      %dma_start3A_112 = tpu.memref_slice %arg6[%add3A_29, %dma_start3A_111] : memref<8192x128xf32, #tpu.memory_space<hbm>> -> memref<128x128xf32, #tpu.memory_space<hbm>>
      %dma_start3A_113 = arith.constant 0 : i32
      %dma_start3A_114 = tpu.memref_slice %arg6[%add3A_29, %dma_start3A_113] : memref<8192x128xf32, #tpu.memory_space<hbm>> -> memref<128x128xf32, #tpu.memory_space<hbm>>
      tpu.enqueue_dma source(%arg9 : memref<128x128xf32, #tpu.memory_space<vmem>>) target(%dma_start3A_114 : memref<128x128xf32, #tpu.memory_space<hbm>>) target_semaphore(%run_scoped3A : memref<!tpu.dma_semaphore, #tpu.memory_space<semaphore_mem>>)
      %dma_wait3A_115 = arith.constant 0 : i32
      %dma_wait3A_116 = tpu.memref_slice %arg6[%add3A_29, %dma_wait3A_115] : memref<8192x128xf32, #tpu.memory_space<hbm>> -> memref<128x128xf32, #tpu.memory_space<hbm>>
      %dma_wait3A_117 = arith.constant 0 : i32
      %dma_wait3A_118 = tpu.memref_slice %arg6[%add3A_29, %dma_wait3A_117] : memref<8192x128xf32, #tpu.memory_space<hbm>> -> memref<128x128xf32, #tpu.memory_space<hbm>>
      tpu.wait_dma2 semaphore(%run_scoped3A : memref<!tpu.dma_semaphore, #tpu.memory_space<semaphore_mem>>) src(%arg9 : memref<128x128xf32, #tpu.memory_space<vmem>>) dst(%dma_wait3A_118 : memref<128x128xf32, #tpu.memory_space<hbm>>)
      tpu.yield
    }) : () -> ()
    %mul3A_30 = arith.constant 512 : i32
    %mul3A_31 = arith.muli %add3A, %mul3A_30 : i32
    %add3A_32 = arith.constant 0 : i32
    %add3A_33 = arith.addi %mul3A_31, %add3A_32 : i32
    %dma_start3A_34 = arith.constant 256 : i32
    %dma_start3A_35 = tpu.memref_slice %arg8[%dma_start3A_34] : memref<768xi32, #tpu.memory_space<vmem>> -> memref<128xi32, #tpu.memory_space<vmem>>
    %dma_start3A_36 = arith.constant 0 : i32
    %dma_start3A_37 = arith.constant 0 : i32
    %dma_start3A_38 = tpu.memref_slice %arg3[%dma_start3A_36, %dma_start3A_37] : memref<32768x128xf32, #tpu.memory_space<hbm>> -> memref<32768x128xf32, #tpu.memory_space<hbm>>
    tpu.enqueue_indirect_dma source(%dma_start3A_38 : memref<32768x128xf32, #tpu.memory_space<hbm>>) target(%arg9 : memref<128x128xf32, #tpu.memory_space<vmem>>) offsets(%dma_start3A_35 : memref<128xi32, #tpu.memory_space<vmem>>) semaphore(%arg11 : memref<!tpu.dma_semaphore, #tpu.memory_space<semaphore_mem>>)
    %dma_wait3A_39 = arith.constant 128 : i32
    %dma_wait3A_40 = tpu.memref_slice %arg8[%dma_wait3A_39] : memref<768xi32, #tpu.memory_space<vmem>> -> memref<128xi32, #tpu.memory_space<vmem>>
    %dma_wait3A_41 = arith.constant 0 : i32
    %dma_wait3A_42 = arith.constant 0 : i32
    %dma_wait3A_43 = tpu.memref_slice %arg2[%dma_wait3A_41, %dma_wait3A_42] : memref<32768x128xf32, #tpu.memory_space<hbm>> -> memref<32768x128xf32, #tpu.memory_space<hbm>>
    tpu.wait_indirect_dma semaphore(%arg12 : memref<!tpu.dma_semaphore, #tpu.memory_space<semaphore_mem>>) src(%dma_wait3A_43 : memref<32768x128xf32, #tpu.memory_space<hbm>>) dst(%arg10 : memref<128x128xf32, #tpu.memory_space<vmem>>)
    %mul3A_44 = arith.constant 256 : i32
    %mul3A_45 = arith.muli %add3A, %mul3A_44 : i32
    %add3A_46 = arith.constant 128 : i32
    %add3A_47 = arith.addi %mul3A_45, %add3A_46 : i32
    "tpu.region"() ({
      %run_scoped3A = tpu.sem_alloc : memref<!tpu.dma_semaphore, #tpu.memory_space<semaphore_mem>>
      %dma_start3A_111 = arith.constant 0 : i32
      %dma_start3A_112 = tpu.memref_slice %arg6[%add3A_47, %dma_start3A_111] : memref<8192x128xf32, #tpu.memory_space<hbm>> -> memref<128x128xf32, #tpu.memory_space<hbm>>
      %dma_start3A_113 = arith.constant 0 : i32
      %dma_start3A_114 = tpu.memref_slice %arg6[%add3A_47, %dma_start3A_113] : memref<8192x128xf32, #tpu.memory_space<hbm>> -> memref<128x128xf32, #tpu.memory_space<hbm>>
      tpu.enqueue_dma source(%arg10 : memref<128x128xf32, #tpu.memory_space<vmem>>) target(%dma_start3A_114 : memref<128x128xf32, #tpu.memory_space<hbm>>) target_semaphore(%run_scoped3A : memref<!tpu.dma_semaphore, #tpu.memory_space<semaphore_mem>>)
      %dma_wait3A_115 = arith.constant 0 : i32
      %dma_wait3A_116 = tpu.memref_slice %arg6[%add3A_47, %dma_wait3A_115] : memref<8192x128xf32, #tpu.memory_space<hbm>> -> memref<128x128xf32, #tpu.memory_space<hbm>>
      %dma_wait3A_117 = arith.constant 0 : i32
      %dma_wait3A_118 = tpu.memref_slice %arg6[%add3A_47, %dma_wait3A_117] : memref<8192x128xf32, #tpu.memory_space<hbm>> -> memref<128x128xf32, #tpu.memory_space<hbm>>
      tpu.wait_dma2 semaphore(%run_scoped3A : memref<!tpu.dma_semaphore, #tpu.memory_space<semaphore_mem>>) src(%arg10 : memref<128x128xf32, #tpu.memory_space<vmem>>) dst(%dma_wait3A_118 : memref<128x128xf32, #tpu.memory_space<hbm>>)
      tpu.yield
    }) : () -> ()
    %mul3A_48 = arith.constant 512 : i32
    %mul3A_49 = arith.muli %add3A, %mul3A_48 : i32
    %add3A_50 = arith.constant 128 : i32
    %add3A_51 = arith.addi %mul3A_49, %add3A_50 : i32
    %dma_start3A_52 = arith.constant 384 : i32
    %dma_start3A_53 = tpu.memref_slice %arg8[%dma_start3A_52] : memref<768xi32, #tpu.memory_space<vmem>> -> memref<128xi32, #tpu.memory_space<vmem>>
    %dma_start3A_54 = arith.constant 0 : i32
    %dma_start3A_55 = arith.constant 0 : i32
    %dma_start3A_56 = tpu.memref_slice %arg3[%dma_start3A_54, %dma_start3A_55] : memref<32768x128xf32, #tpu.memory_space<hbm>> -> memref<32768x128xf32, #tpu.memory_space<hbm>>
    tpu.enqueue_indirect_dma source(%dma_start3A_56 : memref<32768x128xf32, #tpu.memory_space<hbm>>) target(%arg10 : memref<128x128xf32, #tpu.memory_space<vmem>>) offsets(%dma_start3A_53 : memref<128xi32, #tpu.memory_space<vmem>>) semaphore(%arg12 : memref<!tpu.dma_semaphore, #tpu.memory_space<semaphore_mem>>)
    %dma_wait3A_57 = arith.constant 256 : i32
    %dma_wait3A_58 = tpu.memref_slice %arg8[%dma_wait3A_57] : memref<768xi32, #tpu.memory_space<vmem>> -> memref<128xi32, #tpu.memory_space<vmem>>
    %dma_wait3A_59 = arith.constant 0 : i32
    %dma_wait3A_60 = arith.constant 0 : i32
    %dma_wait3A_61 = tpu.memref_slice %arg3[%dma_wait3A_59, %dma_wait3A_60] : memref<32768x128xf32, #tpu.memory_space<hbm>> -> memref<32768x128xf32, #tpu.memory_space<hbm>>
    tpu.wait_indirect_dma semaphore(%arg11 : memref<!tpu.dma_semaphore, #tpu.memory_space<semaphore_mem>>) src(%dma_wait3A_61 : memref<32768x128xf32, #tpu.memory_space<hbm>>) dst(%arg9 : memref<128x128xf32, #tpu.memory_space<vmem>>)
    %mul3A_62 = arith.constant 512 : i32
    %mul3A_63 = arith.muli %add3A, %mul3A_62 : i32
    %add3A_64 = arith.constant 0 : i32
    %add3A_65 = arith.addi %mul3A_63, %add3A_64 : i32
    "tpu.region"() ({
      %run_scoped3A = tpu.sem_alloc : memref<!tpu.dma_semaphore, #tpu.memory_space<semaphore_mem>>
      %dma_start3A_111 = arith.constant 0 : i32
      %dma_start3A_112 = tpu.memref_slice %arg7[%add3A_65, %dma_start3A_111] : memref<16384x128xf32, #tpu.memory_space<hbm>> -> memref<128x128xf32, #tpu.memory_space<hbm>>
      %dma_start3A_113 = arith.constant 0 : i32
      %dma_start3A_114 = tpu.memref_slice %arg7[%add3A_65, %dma_start3A_113] : memref<16384x128xf32, #tpu.memory_space<hbm>> -> memref<128x128xf32, #tpu.memory_space<hbm>>
      tpu.enqueue_dma source(%arg9 : memref<128x128xf32, #tpu.memory_space<vmem>>) target(%dma_start3A_114 : memref<128x128xf32, #tpu.memory_space<hbm>>) target_semaphore(%run_scoped3A : memref<!tpu.dma_semaphore, #tpu.memory_space<semaphore_mem>>)
      %dma_wait3A_115 = arith.constant 0 : i32
      %dma_wait3A_116 = tpu.memref_slice %arg7[%add3A_65, %dma_wait3A_115] : memref<16384x128xf32, #tpu.memory_space<hbm>> -> memref<128x128xf32, #tpu.memory_space<hbm>>
      %dma_wait3A_117 = arith.constant 0 : i32
      %dma_wait3A_118 = tpu.memref_slice %arg7[%add3A_65, %dma_wait3A_117] : memref<16384x128xf32, #tpu.memory_space<hbm>> -> memref<128x128xf32, #tpu.memory_space<hbm>>
      tpu.wait_dma2 semaphore(%run_scoped3A : memref<!tpu.dma_semaphore, #tpu.memory_space<semaphore_mem>>) src(%arg9 : memref<128x128xf32, #tpu.memory_space<vmem>>) dst(%dma_wait3A_118 : memref<128x128xf32, #tpu.memory_space<hbm>>)
      tpu.yield
    }) : () -> ()
    %mul3A_66 = arith.constant 512 : i32
    %mul3A_67 = arith.muli %add3A, %mul3A_66 : i32
    %add3A_68 = arith.constant 256 : i32
    %add3A_69 = arith.addi %mul3A_67, %add3A_68 : i32
    %dma_start3A_70 = arith.constant 512 : i32
    %dma_start3A_71 = tpu.memref_slice %arg8[%dma_start3A_70] : memref<768xi32, #tpu.memory_space<vmem>> -> memref<128xi32, #tpu.memory_space<vmem>>
    %dma_start3A_72 = arith.constant 0 : i32
    %dma_start3A_73 = arith.constant 0 : i32
    %dma_start3A_74 = tpu.memref_slice %arg3[%dma_start3A_72, %dma_start3A_73] : memref<32768x128xf32, #tpu.memory_space<hbm>> -> memref<32768x128xf32, #tpu.memory_space<hbm>>
    tpu.enqueue_indirect_dma source(%dma_start3A_74 : memref<32768x128xf32, #tpu.memory_space<hbm>>) target(%arg9 : memref<128x128xf32, #tpu.memory_space<vmem>>) offsets(%dma_start3A_71 : memref<128xi32, #tpu.memory_space<vmem>>) semaphore(%arg11 : memref<!tpu.dma_semaphore, #tpu.memory_space<semaphore_mem>>)
    %dma_wait3A_75 = arith.constant 384 : i32
    %dma_wait3A_76 = tpu.memref_slice %arg8[%dma_wait3A_75] : memref<768xi32, #tpu.memory_space<vmem>> -> memref<128xi32, #tpu.memory_space<vmem>>
    %dma_wait3A_77 = arith.constant 0 : i32
    %dma_wait3A_78 = arith.constant 0 : i32
    %dma_wait3A_79 = tpu.memref_slice %arg3[%dma_wait3A_77, %dma_wait3A_78] : memref<32768x128xf32, #tpu.memory_space<hbm>> -> memref<32768x128xf32, #tpu.memory_space<hbm>>
    tpu.wait_indirect_dma semaphore(%arg12 : memref<!tpu.dma_semaphore, #tpu.memory_space<semaphore_mem>>) src(%dma_wait3A_79 : memref<32768x128xf32, #tpu.memory_space<hbm>>) dst(%arg10 : memref<128x128xf32, #tpu.memory_space<vmem>>)
    %mul3A_80 = arith.constant 512 : i32
    %mul3A_81 = arith.muli %add3A, %mul3A_80 : i32
    %add3A_82 = arith.constant 128 : i32
    %add3A_83 = arith.addi %mul3A_81, %add3A_82 : i32
    "tpu.region"() ({
      %run_scoped3A = tpu.sem_alloc : memref<!tpu.dma_semaphore, #tpu.memory_space<semaphore_mem>>
      %dma_start3A_111 = arith.constant 0 : i32
      %dma_start3A_112 = tpu.memref_slice %arg7[%add3A_83, %dma_start3A_111] : memref<16384x128xf32, #tpu.memory_space<hbm>> -> memref<128x128xf32, #tpu.memory_space<hbm>>
      %dma_start3A_113 = arith.constant 0 : i32
      %dma_start3A_114 = tpu.memref_slice %arg7[%add3A_83, %dma_start3A_113] : memref<16384x128xf32, #tpu.memory_space<hbm>> -> memref<128x128xf32, #tpu.memory_space<hbm>>
      tpu.enqueue_dma source(%arg10 : memref<128x128xf32, #tpu.memory_space<vmem>>) target(%dma_start3A_114 : memref<128x128xf32, #tpu.memory_space<hbm>>) target_semaphore(%run_scoped3A : memref<!tpu.dma_semaphore, #tpu.memory_space<semaphore_mem>>)
      %dma_wait3A_115 = arith.constant 0 : i32
      %dma_wait3A_116 = tpu.memref_slice %arg7[%add3A_83, %dma_wait3A_115] : memref<16384x128xf32, #tpu.memory_space<hbm>> -> memref<128x128xf32, #tpu.memory_space<hbm>>
      %dma_wait3A_117 = arith.constant 0 : i32
      %dma_wait3A_118 = tpu.memref_slice %arg7[%add3A_83, %dma_wait3A_117] : memref<16384x128xf32, #tpu.memory_space<hbm>> -> memref<128x128xf32, #tpu.memory_space<hbm>>
      tpu.wait_dma2 semaphore(%run_scoped3A : memref<!tpu.dma_semaphore, #tpu.memory_space<semaphore_mem>>) src(%arg10 : memref<128x128xf32, #tpu.memory_space<vmem>>) dst(%dma_wait3A_118 : memref<128x128xf32, #tpu.memory_space<hbm>>)
      tpu.yield
    }) : () -> ()
    %mul3A_84 = arith.constant 512 : i32
    %mul3A_85 = arith.muli %add3A, %mul3A_84 : i32
    %add3A_86 = arith.constant 384 : i32
    %add3A_87 = arith.addi %mul3A_85, %add3A_86 : i32
    %dma_start3A_88 = arith.constant 640 : i32
    %dma_start3A_89 = tpu.memref_slice %arg8[%dma_start3A_88] : memref<768xi32, #tpu.memory_space<vmem>> -> memref<128xi32, #tpu.memory_space<vmem>>
    %dma_start3A_90 = arith.constant 0 : i32
    %dma_start3A_91 = arith.constant 0 : i32
    %dma_start3A_92 = tpu.memref_slice %arg3[%dma_start3A_90, %dma_start3A_91] : memref<32768x128xf32, #tpu.memory_space<hbm>> -> memref<32768x128xf32, #tpu.memory_space<hbm>>
    tpu.enqueue_indirect_dma source(%dma_start3A_92 : memref<32768x128xf32, #tpu.memory_space<hbm>>) target(%arg10 : memref<128x128xf32, #tpu.memory_space<vmem>>) offsets(%dma_start3A_89 : memref<128xi32, #tpu.memory_space<vmem>>) semaphore(%arg12 : memref<!tpu.dma_semaphore, #tpu.memory_space<semaphore_mem>>)
    %dma_wait3A_93 = arith.constant 512 : i32
    %dma_wait3A_94 = tpu.memref_slice %arg8[%dma_wait3A_93] : memref<768xi32, #tpu.memory_space<vmem>> -> memref<128xi32, #tpu.memory_space<vmem>>
    %dma_wait3A_95 = arith.constant 0 : i32
    %dma_wait3A_96 = arith.constant 0 : i32
    %dma_wait3A_97 = tpu.memref_slice %arg3[%dma_wait3A_95, %dma_wait3A_96] : memref<32768x128xf32, #tpu.memory_space<hbm>> -> memref<32768x128xf32, #tpu.memory_space<hbm>>
    tpu.wait_indirect_dma semaphore(%arg11 : memref<!tpu.dma_semaphore, #tpu.memory_space<semaphore_mem>>) src(%dma_wait3A_97 : memref<32768x128xf32, #tpu.memory_space<hbm>>) dst(%arg9 : memref<128x128xf32, #tpu.memory_space<vmem>>)
    %mul3A_98 = arith.constant 512 : i32
    %mul3A_99 = arith.muli %add3A, %mul3A_98 : i32
    %add3A_100 = arith.constant 256 : i32
    %add3A_101 = arith.addi %mul3A_99, %add3A_100 : i32
    "tpu.region"() ({
      %run_scoped3A = tpu.sem_alloc : memref<!tpu.dma_semaphore, #tpu.memory_space<semaphore_mem>>
      %dma_start3A_111 = arith.constant 0 : i32
      %dma_start3A_112 = tpu.memref_slice %arg7[%add3A_101, %dma_start3A_111] : memref<16384x128xf32, #tpu.memory_space<hbm>> -> memref<128x128xf32, #tpu.memory_space<hbm>>
      %dma_start3A_113 = arith.constant 0 : i32
      %dma_start3A_114 = tpu.memref_slice %arg7[%add3A_101, %dma_start3A_113] : memref<16384x128xf32, #tpu.memory_space<hbm>> -> memref<128x128xf32, #tpu.memory_space<hbm>>
      tpu.enqueue_dma source(%arg9 : memref<128x128xf32, #tpu.memory_space<vmem>>) target(%dma_start3A_114 : memref<128x128xf32, #tpu.memory_space<hbm>>) target_semaphore(%run_scoped3A : memref<!tpu.dma_semaphore, #tpu.memory_space<semaphore_mem>>)
      %dma_wait3A_115 = arith.constant 0 : i32
      %dma_wait3A_116 = tpu.memref_slice %arg7[%add3A_101, %dma_wait3A_115] : memref<16384x128xf32, #tpu.memory_space<hbm>> -> memref<128x128xf32, #tpu.memory_space<hbm>>
      %dma_wait3A_117 = arith.constant 0 : i32
      %dma_wait3A_118 = tpu.memref_slice %arg7[%add3A_101, %dma_wait3A_117] : memref<16384x128xf32, #tpu.memory_space<hbm>> -> memref<128x128xf32, #tpu.memory_space<hbm>>
      tpu.wait_dma2 semaphore(%run_scoped3A : memref<!tpu.dma_semaphore, #tpu.memory_space<semaphore_mem>>) src(%arg9 : memref<128x128xf32, #tpu.memory_space<vmem>>) dst(%dma_wait3A_118 : memref<128x128xf32, #tpu.memory_space<hbm>>)
      tpu.yield
    }) : () -> ()
    %dma_wait3A_102 = arith.constant 640 : i32
    %dma_wait3A_103 = tpu.memref_slice %arg8[%dma_wait3A_102] : memref<768xi32, #tpu.memory_space<vmem>> -> memref<128xi32, #tpu.memory_space<vmem>>
    %dma_wait3A_104 = arith.constant 0 : i32
    %dma_wait3A_105 = arith.constant 0 : i32
    %dma_wait3A_106 = tpu.memref_slice %arg3[%dma_wait3A_104, %dma_wait3A_105] : memref<32768x128xf32, #tpu.memory_space<hbm>> -> memref<32768x128xf32, #tpu.memory_space<hbm>>
    tpu.wait_indirect_dma semaphore(%arg12 : memref<!tpu.dma_semaphore, #tpu.memory_space<semaphore_mem>>) src(%dma_wait3A_106 : memref<32768x128xf32, #tpu.memory_space<hbm>>) dst(%arg10 : memref<128x128xf32, #tpu.memory_space<vmem>>)
    %mul3A_107 = arith.constant 512 : i32
    %mul3A_108 = arith.muli %add3A, %mul3A_107 : i32
    %add3A_109 = arith.constant 384 : i32
    %add3A_110 = arith.addi %mul3A_108, %add3A_109 : i32
    "tpu.region"() ({
      %run_scoped3A = tpu.sem_alloc : memref<!tpu.dma_semaphore, #tpu.memory_space<semaphore_mem>>
      %dma_start3A_111 = arith.constant 0 : i32
      %dma_start3A_112 = tpu.memref_slice %arg7[%add3A_110, %dma_start3A_111] : memref<16384x128xf32, #tpu.memory_space<hbm>> -> memref<128x128xf32, #tpu.memory_space<hbm>>
      %dma_start3A_113 = arith.constant 0 : i32
      %dma_start3A_114 = tpu.memref_slice %arg7[%add3A_110, %dma_start3A_113] : memref<16384x128xf32, #tpu.memory_space<hbm>> -> memref<128x128xf32, #tpu.memory_space<hbm>>
      tpu.enqueue_dma source(%arg10 : memref<128x128xf32, #tpu.memory_space<vmem>>) target(%dma_start3A_114 : memref<128x128xf32, #tpu.memory_space<hbm>>) target_semaphore(%run_scoped3A : memref<!tpu.dma_semaphore, #tpu.memory_space<semaphore_mem>>)
      %dma_wait3A_115 = arith.constant 0 : i32
      %dma_wait3A_116 = tpu.memref_slice %arg7[%add3A_110, %dma_wait3A_115] : memref<16384x128xf32, #tpu.memory_space<hbm>> -> memref<128x128xf32, #tpu.memory_space<hbm>>
      %dma_wait3A_117 = arith.constant 0 : i32
      %dma_wait3A_118 = tpu.memref_slice %arg7[%add3A_110, %dma_wait3A_117] : memref<16384x128xf32, #tpu.memory_space<hbm>> -> memref<128x128xf32, #tpu.memory_space<hbm>>
      tpu.wait_dma2 semaphore(%run_scoped3A : memref<!tpu.dma_semaphore, #tpu.memory_space<semaphore_mem>>) src(%arg10 : memref<128x128xf32, #tpu.memory_space<vmem>>) dst(%dma_wait3A_118 : memref<128x128xf32, #tpu.memory_space<hbm>>)
      tpu.yield
    }) : () -> ()
    return
  }
}

#map = affine_map<(d0, d1) -> (0, 0)>
#map1 = affine_map<(d0, d1) -> (0)>
module attributes {stable_mosaic.version = 14 : i64} {
  func.func @_gather_body(%arg0: i32, %arg1: i32, %arg2: memref<32768x128xf32, #tpu.memory_space<hbm>>, %arg3: memref<32768x128xf32, #tpu.memory_space<hbm>>, %arg4: memref<8192xi32, #tpu.memory_space<hbm>>, %arg5: memref<16384xi32, #tpu.memory_space<hbm>>, %arg6: memref<8192x128xf32, #tpu.memory_space<hbm>>, %arg7: memref<16384x128xf32, #tpu.memory_space<hbm>>, %arg8: memref<768xi32, #tpu.memory_space<vmem>>, %arg9: memref<128x128xf32, #tpu.memory_space<vmem>>, %arg10: memref<128x128xf32, #tpu.memory_space<vmem>>, %arg11: memref<!tpu.dma_semaphore, #tpu.memory_space<semaphore_mem>>, %arg12: memref<!tpu.dma_semaphore, #tpu.memory_space<semaphore_mem>>) attributes {dimension_semantics = [#tpu.dimension_semantics<core_parallel>, #tpu.dimension_semantics<subcore_parallel>], iteration_bounds = array<i64: 2, 16>, scalar_prefetch = 0 : i64, scratch_operands = 5 : i64, tpu.core_type = #tpu.core_type<sc_vector_subcore>, window_params = [{transform_indices = #map}, {transform_indices = #map}, {transform_indices = #map1}, {transform_indices = #map1}, {transform_indices = #map}, {transform_indices = #map}]} {
    %mul3A = arith.constant 2 : i32
    %mul3A_0 = arith.muli %arg1, %mul3A : i32
    %add3A = arith.addi %mul3A_0, %arg0 : i32
    %mul3A_1 = arith.constant 256 : i32
    %mul3A_2 = arith.muli %add3A, %mul3A_1 : i32
    "tpu.region"() ({
      %run_scoped3A = tpu.sem_alloc : memref<!tpu.dma_semaphore, #tpu.memory_space<semaphore_mem>>
      %dma_start3A_111 = arith.constant 0 : i32
      %dma_start3A_112 = tpu.memref_slice %arg8[%dma_start3A_111] : memref<768xi32, #tpu.memory_space<vmem>> -> memref<256xi32, #tpu.memory_space<vmem>>
      %dma_start3A_113 = tpu.memref_slice %arg4[%mul3A_2] : memref<8192xi32, #tpu.memory_space<hbm>> -> memref<256xi32, #tpu.memory_space<hbm>>
      %dma_start3A_114 = arith.constant 0 : i32
      %dma_start3A_115 = tpu.memref_slice %arg8[%dma_start3A_114] : memref<768xi32, #tpu.memory_space<vmem>> -> memref<256xi32, #tpu.memory_space<vmem>>
      %dma_start3A_116 = tpu.memref_slice %arg4[%mul3A_2] : memref<8192xi32, #tpu.memory_space<hbm>> -> memref<256xi32, #tpu.memory_space<hbm>>
      tpu.enqueue_dma source(%dma_start3A_116 : memref<256xi32, #tpu.memory_space<hbm>>) target(%dma_start3A_115 : memref<256xi32, #tpu.memory_space<vmem>>) target_semaphore(%run_scoped3A : memref<!tpu.dma_semaphore, #tpu.memory_space<semaphore_mem>>)
      %dma_wait3A_117 = arith.constant 0 : i32
      %dma_wait3A_118 = tpu.memref_slice %arg8[%dma_wait3A_117] : memref<768xi32, #tpu.memory_space<vmem>> -> memref<256xi32, #tpu.memory_space<vmem>>
      %dma_wait3A_119 = tpu.memref_slice %arg4[%mul3A_2] : memref<8192xi32, #tpu.memory_space<hbm>> -> memref<256xi32, #tpu.memory_space<hbm>>
      %dma_wait3A_120 = arith.constant 0 : i32
      %dma_wait3A_121 = tpu.memref_slice %arg8[%dma_wait3A_120] : memref<768xi32, #tpu.memory_space<vmem>> -> memref<256xi32, #tpu.memory_space<vmem>>
      %dma_wait3A_122 = tpu.memref_slice %arg4[%mul3A_2] : memref<8192xi32, #tpu.memory_space<hbm>> -> memref<256xi32, #tpu.memory_space<hbm>>
      tpu.wait_dma2 semaphore(%run_scoped3A : memref<!tpu.dma_semaphore, #tpu.memory_space<semaphore_mem>>) src(%dma_wait3A_122 : memref<256xi32, #tpu.memory_space<hbm>>) dst(%dma_wait3A_121 : memref<256xi32, #tpu.memory_space<vmem>>)
      tpu.yield
    }) : () -> ()
    %mul3A_3 = arith.constant 512 : i32
    %mul3A_4 = arith.muli %add3A, %mul3A_3 : i32
    "tpu.region"() ({
      %run_scoped3A = tpu.sem_alloc : memref<!tpu.dma_semaphore, #tpu.memory_space<semaphore_mem>>
      %dma_start3A_111 = arith.constant 256 : i32
      %dma_start3A_112 = tpu.memref_slice %arg8[%dma_start3A_111] : memref<768xi32, #tpu.memory_space<vmem>> -> memref<512xi32, #tpu.memory_space<vmem>>
      %dma_start3A_113 = tpu.memref_slice %arg5[%mul3A_4] : memref<16384xi32, #tpu.memory_space<hbm>> -> memref<512xi32, #tpu.memory_space<hbm>>
      %dma_start3A_114 = arith.constant 256 : i32
      %dma_start3A_115 = tpu.memref_slice %arg8[%dma_start3A_114] : memref<768xi32, #tpu.memory_space<vmem>> -> memref<512xi32, #tpu.memory_space<vmem>>
      %dma_start3A_116 = tpu.memref_slice %arg5[%mul3A_4] : memref<16384xi32, #tpu.memory_space<hbm>> -> memref<512xi32, #tpu.memory_space<hbm>>
      tpu.enqueue_dma source(%dma_start3A_116 : memref<512xi32, #tpu.memory_space<hbm>>) target(%dma_start3A_115 : memref<512xi32, #tpu.memory_space<vmem>>) target_semaphore(%run_scoped3A : memref<!tpu.dma_semaphore, #tpu.memory_space<semaphore_mem>>)
      %dma_wait3A_117 = arith.constant 256 : i32
      %dma_wait3A_118 = tpu.memref_slice %arg8[%dma_wait3A_117] : memref<768xi32, #tpu.memory_space<vmem>> -> memref<512xi32, #tpu.memory_space<vmem>>
      %dma_wait3A_119 = tpu.memref_slice %arg5[%mul3A_4] : memref<16384xi32, #tpu.memory_space<hbm>> -> memref<512xi32, #tpu.memory_space<hbm>>
      %dma_wait3A_120 = arith.constant 256 : i32
      %dma_wait3A_121 = tpu.memref_slice %arg8[%dma_wait3A_120] : memref<768xi32, #tpu.memory_space<vmem>> -> memref<512xi32, #tpu.memory_space<vmem>>
      %dma_wait3A_122 = tpu.memref_slice %arg5[%mul3A_4] : memref<16384xi32, #tpu.memory_space<hbm>> -> memref<512xi32, #tpu.memory_space<hbm>>
      tpu.wait_dma2 semaphore(%run_scoped3A : memref<!tpu.dma_semaphore, #tpu.memory_space<semaphore_mem>>) src(%dma_wait3A_122 : memref<512xi32, #tpu.memory_space<hbm>>) dst(%dma_wait3A_121 : memref<512xi32, #tpu.memory_space<vmem>>)
      tpu.yield
    }) : () -> ()
    %mul3A_5 = arith.constant 256 : i32
    %mul3A_6 = arith.muli %add3A, %mul3A_5 : i32
    %add3A_7 = arith.constant 0 : i32
    %add3A_8 = arith.addi %mul3A_6, %add3A_7 : i32
    %dma_start3A = arith.constant 0 : i32
    %dma_start3A_9 = tpu.memref_slice %arg8[%dma_start3A] : memref<768xi32, #tpu.memory_space<vmem>> -> memref<128xi32, #tpu.memory_space<vmem>>
    %dma_start3A_10 = arith.constant 0 : i32
    %dma_start3A_11 = arith.constant 0 : i32
    %dma_start3A_12 = tpu.memref_slice %arg2[%dma_start3A_10, %dma_start3A_11] : memref<32768x128xf32, #tpu.memory_space<hbm>> -> memref<32768x128xf32, #tpu.memory_space<hbm>>
    tpu.enqueue_indirect_dma source(%dma_start3A_12 : memref<32768x128xf32, #tpu.memory_space<hbm>>) target(%arg9 : memref<128x128xf32, #tpu.memory_space<vmem>>) offsets(%dma_start3A_9 : memref<128xi32, #tpu.memory_space<vmem>>) semaphore(%arg11 : memref<!tpu.dma_semaphore, #tpu.memory_space<semaphore_mem>>)
    %mul3A_13 = arith.constant 256 : i32
    %mul3A_14 = arith.muli %add3A, %mul3A_13 : i32
    %add3A_15 = arith.constant 128 : i32
    %add3A_16 = arith.addi %mul3A_14, %add3A_15 : i32
    %dma_start3A_17 = arith.constant 128 : i32
    %dma_start3A_18 = tpu.memref_slice %arg8[%dma_start3A_17] : memref<768xi32, #tpu.memory_space<vmem>> -> memref<128xi32, #tpu.memory_space<vmem>>
    %dma_start3A_19 = arith.constant 0 : i32
    %dma_start3A_20 = arith.constant 0 : i32
    %dma_start3A_21 = tpu.memref_slice %arg2[%dma_start3A_19, %dma_start3A_20] : memref<32768x128xf32, #tpu.memory_space<hbm>> -> memref<32768x128xf32, #tpu.memory_space<hbm>>
    tpu.enqueue_indirect_dma source(%dma_start3A_21 : memref<32768x128xf32, #tpu.memory_space<hbm>>) target(%arg10 : memref<128x128xf32, #tpu.memory_space<vmem>>) offsets(%dma_start3A_18 : memref<128xi32, #tpu.memory_space<vmem>>) semaphore(%arg12 : memref<!tpu.dma_semaphore, #tpu.memory_space<semaphore_mem>>)
    %dma_wait3A = arith.constant 0 : i32
    %dma_wait3A_22 = tpu.memref_slice %arg8[%dma_wait3A] : memref<768xi32, #tpu.memory_space<vmem>> -> memref<128xi32, #tpu.memory_space<vmem>>
    %dma_wait3A_23 = arith.constant 0 : i32
    %dma_wait3A_24 = arith.constant 0 : i32
    %dma_wait3A_25 = tpu.memref_slice %arg2[%dma_wait3A_23, %dma_wait3A_24] : memref<32768x128xf32, #tpu.memory_space<hbm>> -> memref<32768x128xf32, #tpu.memory_space<hbm>>
    tpu.wait_indirect_dma semaphore(%arg11 : memref<!tpu.dma_semaphore, #tpu.memory_space<semaphore_mem>>) src(%dma_wait3A_25 : memref<32768x128xf32, #tpu.memory_space<hbm>>) dst(%arg9 : memref<128x128xf32, #tpu.memory_space<vmem>>)
    %mul3A_26 = arith.constant 256 : i32
    %mul3A_27 = arith.muli %add3A, %mul3A_26 : i32
    %add3A_28 = arith.constant 0 : i32
    %add3A_29 = arith.addi %mul3A_27, %add3A_28 : i32
    "tpu.region"() ({
      %run_scoped3A = tpu.sem_alloc : memref<!tpu.dma_semaphore, #tpu.memory_space<semaphore_mem>>
      %dma_start3A_111 = arith.constant 0 : i32
      %dma_start3A_112 = tpu.memref_slice %arg6[%add3A_29, %dma_start3A_111] : memref<8192x128xf32, #tpu.memory_space<hbm>> -> memref<128x128xf32, #tpu.memory_space<hbm>>
      %dma_start3A_113 = arith.constant 0 : i32
      %dma_start3A_114 = tpu.memref_slice %arg6[%add3A_29, %dma_start3A_113] : memref<8192x128xf32, #tpu.memory_space<hbm>> -> memref<128x128xf32, #tpu.memory_space<hbm>>
      tpu.enqueue_dma source(%arg9 : memref<128x128xf32, #tpu.memory_space<vmem>>) target(%dma_start3A_114 : memref<128x128xf32, #tpu.memory_space<hbm>>) target_semaphore(%run_scoped3A : memref<!tpu.dma_semaphore, #tpu.memory_space<semaphore_mem>>)
      %dma_wait3A_115 = arith.constant 0 : i32
      %dma_wait3A_116 = tpu.memref_slice %arg6[%add3A_29, %dma_wait3A_115] : memref<8192x128xf32, #tpu.memory_space<hbm>> -> memref<128x128xf32, #tpu.memory_space<hbm>>
      %dma_wait3A_117 = arith.constant 0 : i32
      %dma_wait3A_118 = tpu.memref_slice %arg6[%add3A_29, %dma_wait3A_117] : memref<8192x128xf32, #tpu.memory_space<hbm>> -> memref<128x128xf32, #tpu.memory_space<hbm>>
      tpu.wait_dma2 semaphore(%run_scoped3A : memref<!tpu.dma_semaphore, #tpu.memory_space<semaphore_mem>>) src(%arg9 : memref<128x128xf32, #tpu.memory_space<vmem>>) dst(%dma_wait3A_118 : memref<128x128xf32, #tpu.memory_space<hbm>>)
      tpu.yield
    }) : () -> ()
    %mul3A_30 = arith.constant 512 : i32
    %mul3A_31 = arith.muli %add3A, %mul3A_30 : i32
    %add3A_32 = arith.constant 0 : i32
    %add3A_33 = arith.addi %mul3A_31, %add3A_32 : i32
    %dma_start3A_34 = arith.constant 256 : i32
    %dma_start3A_35 = tpu.memref_slice %arg8[%dma_start3A_34] : memref<768xi32, #tpu.memory_space<vmem>> -> memref<128xi32, #tpu.memory_space<vmem>>
    %dma_start3A_36 = arith.constant 0 : i32
    %dma_start3A_37 = arith.constant 0 : i32
    %dma_start3A_38 = tpu.memref_slice %arg3[%dma_start3A_36, %dma_start3A_37] : memref<32768x128xf32, #tpu.memory_space<hbm>> -> memref<32768x128xf32, #tpu.memory_space<hbm>>
    tpu.enqueue_indirect_dma source(%dma_start3A_38 : memref<32768x128xf32, #tpu.memory_space<hbm>>) target(%arg9 : memref<128x128xf32, #tpu.memory_space<vmem>>) offsets(%dma_start3A_35 : memref<128xi32, #tpu.memory_space<vmem>>) semaphore(%arg11 : memref<!tpu.dma_semaphore, #tpu.memory_space<semaphore_mem>>)
    %dma_wait3A_39 = arith.constant 128 : i32
    %dma_wait3A_40 = tpu.memref_slice %arg8[%dma_wait3A_39] : memref<768xi32, #tpu.memory_space<vmem>> -> memref<128xi32, #tpu.memory_space<vmem>>
    %dma_wait3A_41 = arith.constant 0 : i32
    %dma_wait3A_42 = arith.constant 0 : i32
    %dma_wait3A_43 = tpu.memref_slice %arg2[%dma_wait3A_41, %dma_wait3A_42] : memref<32768x128xf32, #tpu.memory_space<hbm>> -> memref<32768x128xf32, #tpu.memory_space<hbm>>
    tpu.wait_indirect_dma semaphore(%arg12 : memref<!tpu.dma_semaphore, #tpu.memory_space<semaphore_mem>>) src(%dma_wait3A_43 : memref<32768x128xf32, #tpu.memory_space<hbm>>) dst(%arg10 : memref<128x128xf32, #tpu.memory_space<vmem>>)
    %mul3A_44 = arith.constant 256 : i32
    %mul3A_45 = arith.muli %add3A, %mul3A_44 : i32
    %add3A_46 = arith.constant 128 : i32
    %add3A_47 = arith.addi %mul3A_45, %add3A_46 : i32
    "tpu.region"() ({
      %run_scoped3A = tpu.sem_alloc : memref<!tpu.dma_semaphore, #tpu.memory_space<semaphore_mem>>
      %dma_start3A_111 = arith.constant 0 : i32
      %dma_start3A_112 = tpu.memref_slice %arg6[%add3A_47, %dma_start3A_111] : memref<8192x128xf32, #tpu.memory_space<hbm>> -> memref<128x128xf32, #tpu.memory_space<hbm>>
      %dma_start3A_113 = arith.constant 0 : i32
      %dma_start3A_114 = tpu.memref_slice %arg6[%add3A_47, %dma_start3A_113] : memref<8192x128xf32, #tpu.memory_space<hbm>> -> memref<128x128xf32, #tpu.memory_space<hbm>>
      tpu.enqueue_dma source(%arg10 : memref<128x128xf32, #tpu.memory_space<vmem>>) target(%dma_start3A_114 : memref<128x128xf32, #tpu.memory_space<hbm>>) target_semaphore(%run_scoped3A : memref<!tpu.dma_semaphore, #tpu.memory_space<semaphore_mem>>)
      %dma_wait3A_115 = arith.constant 0 : i32
      %dma_wait3A_116 = tpu.memref_slice %arg6[%add3A_47, %dma_wait3A_115] : memref<8192x128xf32, #tpu.memory_space<hbm>> -> memref<128x128xf32, #tpu.memory_space<hbm>>
      %dma_wait3A_117 = arith.constant 0 : i32
      %dma_wait3A_118 = tpu.memref_slice %arg6[%add3A_47, %dma_wait3A_117] : memref<8192x128xf32, #tpu.memory_space<hbm>> -> memref<128x128xf32, #tpu.memory_space<hbm>>
      tpu.wait_dma2 semaphore(%run_scoped3A : memref<!tpu.dma_semaphore, #tpu.memory_space<semaphore_mem>>) src(%arg10 : memref<128x128xf32, #tpu.memory_space<vmem>>) dst(%dma_wait3A_118 : memref<128x128xf32, #tpu.memory_space<hbm>>)
      tpu.yield
    }) : () -> ()
    %mul3A_48 = arith.constant 512 : i32
    %mul3A_49 = arith.muli %add3A, %mul3A_48 : i32
    %add3A_50 = arith.constant 128 : i32
    %add3A_51 = arith.addi %mul3A_49, %add3A_50 : i32
    %dma_start3A_52 = arith.constant 384 : i32
    %dma_start3A_53 = tpu.memref_slice %arg8[%dma_start3A_52] : memref<768xi32, #tpu.memory_space<vmem>> -> memref<128xi32, #tpu.memory_space<vmem>>
    %dma_start3A_54 = arith.constant 0 : i32
    %dma_start3A_55 = arith.constant 0 : i32
    %dma_start3A_56 = tpu.memref_slice %arg3[%dma_start3A_54, %dma_start3A_55] : memref<32768x128xf32, #tpu.memory_space<hbm>> -> memref<32768x128xf32, #tpu.memory_space<hbm>>
    tpu.enqueue_indirect_dma source(%dma_start3A_56 : memref<32768x128xf32, #tpu.memory_space<hbm>>) target(%arg10 : memref<128x128xf32, #tpu.memory_space<vmem>>) offsets(%dma_start3A_53 : memref<128xi32, #tpu.memory_space<vmem>>) semaphore(%arg12 : memref<!tpu.dma_semaphore, #tpu.memory_space<semaphore_mem>>)
    %dma_wait3A_57 = arith.constant 256 : i32
    %dma_wait3A_58 = tpu.memref_slice %arg8[%dma_wait3A_57] : memref<768xi32, #tpu.memory_space<vmem>> -> memref<128xi32, #tpu.memory_space<vmem>>
    %dma_wait3A_59 = arith.constant 0 : i32
    %dma_wait3A_60 = arith.constant 0 : i32
    %dma_wait3A_61 = tpu.memref_slice %arg3[%dma_wait3A_59, %dma_wait3A_60] : memref<32768x128xf32, #tpu.memory_space<hbm>> -> memref<32768x128xf32, #tpu.memory_space<hbm>>
    tpu.wait_indirect_dma semaphore(%arg11 : memref<!tpu.dma_semaphore, #tpu.memory_space<semaphore_mem>>) src(%dma_wait3A_61 : memref<32768x128xf32, #tpu.memory_space<hbm>>) dst(%arg9 : memref<128x128xf32, #tpu.memory_space<vmem>>)
    %mul3A_62 = arith.constant 512 : i32
    %mul3A_63 = arith.muli %add3A, %mul3A_62 : i32
    %add3A_64 = arith.constant 0 : i32
    %add3A_65 = arith.addi %mul3A_63, %add3A_64 : i32
    "tpu.region"() ({
      %run_scoped3A = tpu.sem_alloc : memref<!tpu.dma_semaphore, #tpu.memory_space<semaphore_mem>>
      %dma_start3A_111 = arith.constant 0 : i32
      %dma_start3A_112 = tpu.memref_slice %arg7[%add3A_65, %dma_start3A_111] : memref<16384x128xf32, #tpu.memory_space<hbm>> -> memref<128x128xf32, #tpu.memory_space<hbm>>
      %dma_start3A_113 = arith.constant 0 : i32
      %dma_start3A_114 = tpu.memref_slice %arg7[%add3A_65, %dma_start3A_113] : memref<16384x128xf32, #tpu.memory_space<hbm>> -> memref<128x128xf32, #tpu.memory_space<hbm>>
      tpu.enqueue_dma source(%arg9 : memref<128x128xf32, #tpu.memory_space<vmem>>) target(%dma_start3A_114 : memref<128x128xf32, #tpu.memory_space<hbm>>) target_semaphore(%run_scoped3A : memref<!tpu.dma_semaphore, #tpu.memory_space<semaphore_mem>>)
      %dma_wait3A_115 = arith.constant 0 : i32
      %dma_wait3A_116 = tpu.memref_slice %arg7[%add3A_65, %dma_wait3A_115] : memref<16384x128xf32, #tpu.memory_space<hbm>> -> memref<128x128xf32, #tpu.memory_space<hbm>>
      %dma_wait3A_117 = arith.constant 0 : i32
      %dma_wait3A_118 = tpu.memref_slice %arg7[%add3A_65, %dma_wait3A_117] : memref<16384x128xf32, #tpu.memory_space<hbm>> -> memref<128x128xf32, #tpu.memory_space<hbm>>
      tpu.wait_dma2 semaphore(%run_scoped3A : memref<!tpu.dma_semaphore, #tpu.memory_space<semaphore_mem>>) src(%arg9 : memref<128x128xf32, #tpu.memory_space<vmem>>) dst(%dma_wait3A_118 : memref<128x128xf32, #tpu.memory_space<hbm>>)
      tpu.yield
    }) : () -> ()
    %mul3A_66 = arith.constant 512 : i32
    %mul3A_67 = arith.muli %add3A, %mul3A_66 : i32
    %add3A_68 = arith.constant 256 : i32
    %add3A_69 = arith.addi %mul3A_67, %add3A_68 : i32
    %dma_start3A_70 = arith.constant 512 : i32
    %dma_start3A_71 = tpu.memref_slice %arg8[%dma_start3A_70] : memref<768xi32, #tpu.memory_space<vmem>> -> memref<128xi32, #tpu.memory_space<vmem>>
    %dma_start3A_72 = arith.constant 0 : i32
    %dma_start3A_73 = arith.constant 0 : i32
    %dma_start3A_74 = tpu.memref_slice %arg3[%dma_start3A_72, %dma_start3A_73] : memref<32768x128xf32, #tpu.memory_space<hbm>> -> memref<32768x128xf32, #tpu.memory_space<hbm>>
    tpu.enqueue_indirect_dma source(%dma_start3A_74 : memref<32768x128xf32, #tpu.memory_space<hbm>>) target(%arg9 : memref<128x128xf32, #tpu.memory_space<vmem>>) offsets(%dma_start3A_71 : memref<128xi32, #tpu.memory_space<vmem>>) semaphore(%arg11 : memref<!tpu.dma_semaphore, #tpu.memory_space<semaphore_mem>>)
    %dma_wait3A_75 = arith.constant 384 : i32
    %dma_wait3A_76 = tpu.memref_slice %arg8[%dma_wait3A_75] : memref<768xi32, #tpu.memory_space<vmem>> -> memref<128xi32, #tpu.memory_space<vmem>>
    %dma_wait3A_77 = arith.constant 0 : i32
    %dma_wait3A_78 = arith.constant 0 : i32
    %dma_wait3A_79 = tpu.memref_slice %arg3[%dma_wait3A_77, %dma_wait3A_78] : memref<32768x128xf32, #tpu.memory_space<hbm>> -> memref<32768x128xf32, #tpu.memory_space<hbm>>
    tpu.wait_indirect_dma semaphore(%arg12 : memref<!tpu.dma_semaphore, #tpu.memory_space<semaphore_mem>>) src(%dma_wait3A_79 : memref<32768x128xf32, #tpu.memory_space<hbm>>) dst(%arg10 : memref<128x128xf32, #tpu.memory_space<vmem>>)
    %mul3A_80 = arith.constant 512 : i32
    %mul3A_81 = arith.muli %add3A, %mul3A_80 : i32
    %add3A_82 = arith.constant 128 : i32
    %add3A_83 = arith.addi %mul3A_81, %add3A_82 : i32
    "tpu.region"() ({
      %run_scoped3A = tpu.sem_alloc : memref<!tpu.dma_semaphore, #tpu.memory_space<semaphore_mem>>
      %dma_start3A_111 = arith.constant 0 : i32
      %dma_start3A_112 = tpu.memref_slice %arg7[%add3A_83, %dma_start3A_111] : memref<16384x128xf32, #tpu.memory_space<hbm>> -> memref<128x128xf32, #tpu.memory_space<hbm>>
      %dma_start3A_113 = arith.constant 0 : i32
      %dma_start3A_114 = tpu.memref_slice %arg7[%add3A_83, %dma_start3A_113] : memref<16384x128xf32, #tpu.memory_space<hbm>> -> memref<128x128xf32, #tpu.memory_space<hbm>>
      tpu.enqueue_dma source(%arg10 : memref<128x128xf32, #tpu.memory_space<vmem>>) target(%dma_start3A_114 : memref<128x128xf32, #tpu.memory_space<hbm>>) target_semaphore(%run_scoped3A : memref<!tpu.dma_semaphore, #tpu.memory_space<semaphore_mem>>)
      %dma_wait3A_115 = arith.constant 0 : i32
      %dma_wait3A_116 = tpu.memref_slice %arg7[%add3A_83, %dma_wait3A_115] : memref<16384x128xf32, #tpu.memory_space<hbm>> -> memref<128x128xf32, #tpu.memory_space<hbm>>
      %dma_wait3A_117 = arith.constant 0 : i32
      %dma_wait3A_118 = tpu.memref_slice %arg7[%add3A_83, %dma_wait3A_117] : memref<16384x128xf32, #tpu.memory_space<hbm>> -> memref<128x128xf32, #tpu.memory_space<hbm>>
      tpu.wait_dma2 semaphore(%run_scoped3A : memref<!tpu.dma_semaphore, #tpu.memory_space<semaphore_mem>>) src(%arg10 : memref<128x128xf32, #tpu.memory_space<vmem>>) dst(%dma_wait3A_118 : memref<128x128xf32, #tpu.memory_space<hbm>>)
      tpu.yield
    }) : () -> ()
    %mul3A_84 = arith.constant 512 : i32
    %mul3A_85 = arith.muli %add3A, %mul3A_84 : i32
    %add3A_86 = arith.constant 384 : i32
    %add3A_87 = arith.addi %mul3A_85, %add3A_86 : i32
    %dma_start3A_88 = arith.constant 640 : i32
    %dma_start3A_89 = tpu.memref_slice %arg8[%dma_start3A_88] : memref<768xi32, #tpu.memory_space<vmem>> -> memref<128xi32, #tpu.memory_space<vmem>>
    %dma_start3A_90 = arith.constant 0 : i32
    %dma_start3A_91 = arith.constant 0 : i32
    %dma_start3A_92 = tpu.memref_slice %arg3[%dma_start3A_90, %dma_start3A_91] : memref<32768x128xf32, #tpu.memory_space<hbm>> -> memref<32768x128xf32, #tpu.memory_space<hbm>>
    tpu.enqueue_indirect_dma source(%dma_start3A_92 : memref<32768x128xf32, #tpu.memory_space<hbm>>) target(%arg10 : memref<128x128xf32, #tpu.memory_space<vmem>>) offsets(%dma_start3A_89 : memref<128xi32, #tpu.memory_space<vmem>>) semaphore(%arg12 : memref<!tpu.dma_semaphore, #tpu.memory_space<semaphore_mem>>)
    %dma_wait3A_93 = arith.constant 512 : i32
    %dma_wait3A_94 = tpu.memref_slice %arg8[%dma_wait3A_93] : memref<768xi32, #tpu.memory_space<vmem>> -> memref<128xi32, #tpu.memory_space<vmem>>
    %dma_wait3A_95 = arith.constant 0 : i32
    %dma_wait3A_96 = arith.constant 0 : i32
    %dma_wait3A_97 = tpu.memref_slice %arg3[%dma_wait3A_95, %dma_wait3A_96] : memref<32768x128xf32, #tpu.memory_space<hbm>> -> memref<32768x128xf32, #tpu.memory_space<hbm>>
    tpu.wait_indirect_dma semaphore(%arg11 : memref<!tpu.dma_semaphore, #tpu.memory_space<semaphore_mem>>) src(%dma_wait3A_97 : memref<32768x128xf32, #tpu.memory_space<hbm>>) dst(%arg9 : memref<128x128xf32, #tpu.memory_space<vmem>>)
    %mul3A_98 = arith.constant 512 : i32
    %mul3A_99 = arith.muli %add3A, %mul3A_98 : i32
    %add3A_100 = arith.constant 256 : i32
    %add3A_101 = arith.addi %mul3A_99, %add3A_100 : i32
    "tpu.region"() ({
      %run_scoped3A = tpu.sem_alloc : memref<!tpu.dma_semaphore, #tpu.memory_space<semaphore_mem>>
      %dma_start3A_111 = arith.constant 0 : i32
      %dma_start3A_112 = tpu.memref_slice %arg7[%add3A_101, %dma_start3A_111] : memref<16384x128xf32, #tpu.memory_space<hbm>> -> memref<128x128xf32, #tpu.memory_space<hbm>>
      %dma_start3A_113 = arith.constant 0 : i32
      %dma_start3A_114 = tpu.memref_slice %arg7[%add3A_101, %dma_start3A_113] : memref<16384x128xf32, #tpu.memory_space<hbm>> -> memref<128x128xf32, #tpu.memory_space<hbm>>
      tpu.enqueue_dma source(%arg9 : memref<128x128xf32, #tpu.memory_space<vmem>>) target(%dma_start3A_114 : memref<128x128xf32, #tpu.memory_space<hbm>>) target_semaphore(%run_scoped3A : memref<!tpu.dma_semaphore, #tpu.memory_space<semaphore_mem>>)
      %dma_wait3A_115 = arith.constant 0 : i32
      %dma_wait3A_116 = tpu.memref_slice %arg7[%add3A_101, %dma_wait3A_115] : memref<16384x128xf32, #tpu.memory_space<hbm>> -> memref<128x128xf32, #tpu.memory_space<hbm>>
      %dma_wait3A_117 = arith.constant 0 : i32
      %dma_wait3A_118 = tpu.memref_slice %arg7[%add3A_101, %dma_wait3A_117] : memref<16384x128xf32, #tpu.memory_space<hbm>> -> memref<128x128xf32, #tpu.memory_space<hbm>>
      tpu.wait_dma2 semaphore(%run_scoped3A : memref<!tpu.dma_semaphore, #tpu.memory_space<semaphore_mem>>) src(%arg9 : memref<128x128xf32, #tpu.memory_space<vmem>>) dst(%dma_wait3A_118 : memref<128x128xf32, #tpu.memory_space<hbm>>)
      tpu.yield
    }) : () -> ()
    %dma_wait3A_102 = arith.constant 640 : i32
    %dma_wait3A_103 = tpu.memref_slice %arg8[%dma_wait3A_102] : memref<768xi32, #tpu.memory_space<vmem>> -> memref<128xi32, #tpu.memory_space<vmem>>
    %dma_wait3A_104 = arith.constant 0 : i32
    %dma_wait3A_105 = arith.constant 0 : i32
    %dma_wait3A_106 = tpu.memref_slice %arg3[%dma_wait3A_104, %dma_wait3A_105] : memref<32768x128xf32, #tpu.memory_space<hbm>> -> memref<32768x128xf32, #tpu.memory_space<hbm>>
    tpu.wait_indirect_dma semaphore(%arg12 : memref<!tpu.dma_semaphore, #tpu.memory_space<semaphore_mem>>) src(%dma_wait3A_106 : memref<32768x128xf32, #tpu.memory_space<hbm>>) dst(%arg10 : memref<128x128xf32, #tpu.memory_space<vmem>>)
    %mul3A_107 = arith.constant 512 : i32
    %mul3A_108 = arith.muli %add3A, %mul3A_107 : i32
    %add3A_109 = arith.constant 384 : i32
    %add3A_110 = arith.addi %mul3A_108, %add3A_109 : i32
    "tpu.region"() ({
      %run_scoped3A = tpu.sem_alloc : memref<!tpu.dma_semaphore, #tpu.memory_space<semaphore_mem>>
      %dma_start3A_111 = arith.constant 0 : i32
      %dma_start3A_112 = tpu.memref_slice %arg7[%add3A_110, %dma_start3A_111] : memref<16384x128xf32, #tpu.memory_space<hbm>> -> memref<128x128xf32, #tpu.memory_space<hbm>>
      %dma_start3A_113 = arith.constant 0 : i32
      %dma_start3A_114 = tpu.memref_slice %arg7[%add3A_110, %dma_start3A_113] : memref<16384x128xf32, #tpu.memory_space<hbm>> -> memref<128x128xf32, #tpu.memory_space<hbm>>
      tpu.enqueue_dma source(%arg10 : memref<128x128xf32, #tpu.memory_space<vmem>>) target(%dma_start3A_114 : memref<128x128xf32, #tpu.memory_space<hbm>>) target_semaphore(%run_scoped3A : memref<!tpu.dma_semaphore, #tpu.memory_space<semaphore_mem>>)
      %dma_wait3A_115 = arith.constant 0 : i32
      %dma_wait3A_116 = tpu.memref_slice %arg7[%add3A_110, %dma_wait3A_115] : memref<16384x128xf32, #tpu.memory_space<hbm>> -> memref<128x128xf32, #tpu.memory_space<hbm>>
      %dma_wait3A_117 = arith.constant 0 : i32
      %dma_wait3A_118 = tpu.memref_slice %arg7[%add3A_110, %dma_wait3A_117] : memref<16384x128xf32, #tpu.memory_space<hbm>> -> memref<128x128xf32, #tpu.memory_space<hbm>>
      tpu.wait_dma2 semaphore(%run_scoped3A : memref<!tpu.dma_semaphore, #tpu.memory_space<semaphore_mem>>) src(%arg10 : memref<128x128xf32, #tpu.memory_space<vmem>>) dst(%dma_wait3A_118 : memref<128x128xf32, #tpu.memory_space<hbm>>)
      tpu.yield
    }) : () -> ()
    return
  }
}

module attributes {stable_mosaic.version = 14 : i64} {
  func.func @_vote_kernel(%arg0: memref<1024x256xf32, #tpu.memory_space<vmem>>, %arg1: memref<1024x3xf32, #tpu.memory_space<vmem>>, %arg2: memref<256x128xf32, #tpu.memory_space<vmem>>, %arg3: memref<1x128xf32, #tpu.memory_space<vmem>>, %arg4: memref<1x128xf32, #tpu.memory_space<vmem>>, %arg5: memref<1x128xf32, #tpu.memory_space<vmem>>, %arg6: memref<128x3xf32, #tpu.memory_space<vmem>>, %arg7: memref<1x3xf32, #tpu.memory_space<vmem>>, %arg8: memref<3x128xf32, #tpu.memory_space<vmem>>, %arg9: memref<1x128xf32, #tpu.memory_space<vmem>>, %arg10: memref<3x128xf32, #tpu.memory_space<vmem>>, %arg11: memref<1x128xf32, #tpu.memory_space<vmem>>, %arg12: memref<1024x3xf32, #tpu.memory_space<vmem>>, %arg13: memref<1024x3xf32, #tpu.memory_space<vmem>>, %arg14: memref<1024x128xf32, #tpu.memory_space<vmem>>, %arg15: memref<1024x128xf32, #tpu.memory_space<vmem>>) attributes {dimension_semantics = [], scalar_prefetch = 0 : i64, scratch_operands = 0 : i64, tpu.core_type = #tpu.core_type<tc>} {
    %get3A = arith.constant 0 : index
    %get3A_0 = arith.constant 0 : index
    %get3A_1 = vector.load %arg0[%get3A, %get3A_0] : memref<1024x256xf32, #tpu.memory_space<vmem>>, vector<1024x256xf32>
    %get3A_2 = arith.constant 0 : index
    %get3A_3 = arith.constant 0 : index
    %get3A_4 = vector.load %arg2[%get3A_2, %get3A_3] : memref<256x128xf32, #tpu.memory_space<vmem>>, vector<256x128xf32>
    %dot_general3A = arith.constant dense<0.000000e+00> : vector<1024x128xf32>
    %dot_general3A_5 = tpu.matmul %get3A_1, %get3A_4, %dot_general3A {dimension_numbers = #tpu.dot_dimension_numbers<[1], [0], [0], [1], [0, 0, 1, 1], [], []>, transpose_lhs_hint = false} : vector<1024x256xf32>, vector<256x128xf32>, vector<1024x128xf32> -> vector<1024x128xf32>
    %get3A_6 = arith.constant 0 : index
    %get3A_7 = arith.constant 0 : index
    %get3A_8 = vector.load %arg3[%get3A_6, %get3A_7] : memref<1x128xf32, #tpu.memory_space<vmem>>, vector<1x128xf32>
    %add3A = vector.broadcast %get3A_8 : vector<1x128xf32> to vector<1024x128xf32>
    %add3A_9 = arith.addf %dot_general3A_5, %add3A : vector<1024x128xf32>
    %get3A_10 = arith.constant 0 : index
    %get3A_11 = arith.constant 0 : index
    %get3A_12 = vector.load %arg4[%get3A_10, %get3A_11] : memref<1x128xf32, #tpu.memory_space<vmem>>, vector<1x128xf32>
    %mul3A = vector.broadcast %get3A_12 : vector<1x128xf32> to vector<1024x128xf32>
    %mul3A_13 = arith.mulf %mul3A, %add3A_9 : vector<1024x128xf32>
    %sqrt3A = arith.constant 1.000010e+00 : f32
    %sqrt3A_14 = math.sqrt %sqrt3A : f32
    %div3A = vector.broadcast %sqrt3A_14 : f32 to vector<1024x128xf32>
    %div3A_15 = arith.divf %mul3A_13, %div3A : vector<1024x128xf32>
    %get3A_16 = arith.constant 0 : index
    %get3A_17 = arith.constant 0 : index
    %get3A_18 = vector.load %arg5[%get3A_16, %get3A_17] : memref<1x128xf32, #tpu.memory_space<vmem>>, vector<1x128xf32>
    %add3A_19 = vector.broadcast %get3A_18 : vector<1x128xf32> to vector<1024x128xf32>
    %add3A_20 = arith.addf %div3A_15, %add3A_19 : vector<1024x128xf32>
    %max3A = arith.constant 0.000000e+00 : f32
    %max3A_21 = vector.broadcast %max3A : f32 to vector<1024x128xf32>
    %max3A_22 = arith.maximumf %add3A_20, %max3A_21 : vector<1024x128xf32>
    %get3A_23 = arith.constant 0 : index
    %get3A_24 = arith.constant 0 : index
    %get3A_25 = vector.load %arg6[%get3A_23, %get3A_24] : memref<128x3xf32, #tpu.memory_space<vmem>>, vector<128x3xf32>
    %dot_general3A_26 = arith.constant dense<0.000000e+00> : vector<1024x3xf32>
    %dot_general3A_27 = tpu.matmul %max3A_22, %get3A_25, %dot_general3A_26 {dimension_numbers = #tpu.dot_dimension_numbers<[1], [0], [0], [1], [0, 0, 1, 1], [], []>, transpose_lhs_hint = false} : vector<1024x128xf32>, vector<128x3xf32>, vector<1024x3xf32> -> vector<1024x3xf32>
    %get3A_28 = arith.constant 0 : index
    %get3A_29 = arith.constant 0 : index
    %get3A_30 = vector.load %arg7[%get3A_28, %get3A_29] : memref<1x3xf32, #tpu.memory_space<vmem>>, vector<1x3xf32>
    %add3A_31 = vector.broadcast %get3A_30 : vector<1x3xf32> to vector<1024x3xf32>
    %add3A_32 = arith.addf %dot_general3A_27, %add3A_31 : vector<1024x3xf32>
    %iota3A = tpu.iota {dimensions = array<i32: 1>} : vector<1x3xi32>
    %eq3A = arith.constant 2 : i32
    %eq3A_33 = vector.broadcast %eq3A : i32 to vector<1x3xi32>
    %eq3A_34 = arith.cmpi eq, %iota3A, %eq3A_33 : vector<1x3xi32>
    %jit3A = arith.constant 2.000000e+00 : f32
    %jit3A_35 = arith.constant 3.000000e+00 : f32
    %broadcast_in_dim3A = vector.broadcast %jit3A : f32 to vector<1x3xf32>
    %broadcast_in_dim3A_36 = vector.broadcast %jit3A_35 : f32 to vector<1x3xf32>
    %select_n3A = arith.select %eq3A_34, %broadcast_in_dim3A, %broadcast_in_dim3A_36 : vector<1x3xi1>, vector<1x3xf32>
    %neg3A = arith.constant 0.000000e+00 : f32
    %neg3A_37 = vector.broadcast %neg3A : f32 to vector<1x3xf32>
    %neg3A_38 = arith.subf %neg3A_37, %select_n3A : vector<1x3xf32>
    %max3A_39 = vector.broadcast %neg3A_38 : vector<1x3xf32> to vector<1024x3xf32>
    %max3A_40 = arith.maximumf %max3A_39, %add3A_32 : vector<1024x3xf32>
    %min3A = vector.broadcast %select_n3A : vector<1x3xf32> to vector<1024x3xf32>
    %min3A_41 = arith.minimumf %min3A, %max3A_40 : vector<1024x3xf32>
    %get3A_42 = arith.constant 0 : index
    %get3A_43 = arith.constant 0 : index
    %get3A_44 = vector.load %arg1[%get3A_42, %get3A_43] : memref<1024x3xf32, #tpu.memory_space<vmem>>, vector<1024x3xf32>
    %add3A_45 = arith.addf %get3A_44, %min3A_41 : vector<1024x3xf32>
    %swap3A = arith.constant 0 : index
    %swap3A_46 = arith.constant 0 : index
    %swap3A_47 = vector.load %arg12[%swap3A, %swap3A_46] : memref<1024x3xf32, #tpu.memory_space<vmem>>, vector<1024x3xf32>
    tpu.vector_store %arg12[%swap3A, %swap3A_46], %add3A_32 {strides = array<i32>} : memref<1024x3xf32, #tpu.memory_space<vmem>>, vector<1024x3xf32>,
    %swap3A_48 = arith.constant 0 : index
    %swap3A_49 = arith.constant 0 : index
    %swap3A_50 = vector.load %arg13[%swap3A_48, %swap3A_49] : memref<1024x3xf32, #tpu.memory_space<vmem>>, vector<1024x3xf32>
    tpu.vector_store %arg13[%swap3A_48, %swap3A_49], %add3A_45 {strides = array<i32>} : memref<1024x3xf32, #tpu.memory_space<vmem>>, vector<1024x3xf32>,
    %get3A_51 = arith.constant 0 : index
    %get3A_52 = arith.constant 0 : index
    %get3A_53 = vector.load %arg9[%get3A_51, %get3A_52] : memref<1x128xf32, #tpu.memory_space<vmem>>, vector<1x128xf32>
    %get3A_54 = arith.constant 0 : index
    %get3A_55 = arith.constant 0 : index
    %get3A_56 = vector.load %arg8[%get3A_54, %get3A_55] : memref<3x128xf32, #tpu.memory_space<vmem>>, vector<3x128xf32>
    %dot_general3A_57 = arith.constant dense<0.000000e+00> : vector<1024x128xf32>
    %dot_general3A_58 = tpu.matmul %add3A_45, %get3A_56, %dot_general3A_57 {dimension_numbers = #tpu.dot_dimension_numbers<[1], [0], [0], [1], [0, 0, 1, 1], [], []>, transpose_lhs_hint = false} : vector<1024x3xf32>, vector<3x128xf32>, vector<1024x128xf32> -> vector<1024x128xf32>
    %sub3A = vector.broadcast %get3A_53 : vector<1x128xf32> to vector<1024x128xf32>
    %sub3A_59 = arith.subf %sub3A, %dot_general3A_58 : vector<1024x128xf32>
    %swap3A_60 = arith.constant 0 : index
    %swap3A_61 = arith.constant 0 : index
    %swap3A_62 = vector.load %arg14[%swap3A_60, %swap3A_61] : memref<1024x128xf32, #tpu.memory_space<vmem>>, vector<1024x128xf32>
    tpu.vector_store %arg14[%swap3A_60, %swap3A_61], %sub3A_59 {strides = array<i32>} : memref<1024x128xf32, #tpu.memory_space<vmem>>, vector<1024x128xf32>,
    %get3A_63 = arith.constant 0 : index
    %get3A_64 = arith.constant 0 : index
    %get3A_65 = vector.load %arg11[%get3A_63, %get3A_64] : memref<1x128xf32, #tpu.memory_space<vmem>>, vector<1x128xf32>
    %get3A_66 = arith.constant 0 : index
    %get3A_67 = arith.constant 0 : index
    %get3A_68 = vector.load %arg10[%get3A_66, %get3A_67] : memref<3x128xf32, #tpu.memory_space<vmem>>, vector<3x128xf32>
    %dot_general3A_69 = arith.constant dense<0.000000e+00> : vector<1024x128xf32>
    %dot_general3A_70 = tpu.matmul %add3A_45, %get3A_68, %dot_general3A_69 {dimension_numbers = #tpu.dot_dimension_numbers<[1], [0], [0], [1], [0, 0, 1, 1], [], []>, transpose_lhs_hint = false} : vector<1024x3xf32>, vector<3x128xf32>, vector<1024x128xf32> -> vector<1024x128xf32>
    %sub3A_71 = vector.broadcast %get3A_65 : vector<1x128xf32> to vector<1024x128xf32>
    %sub3A_72 = arith.subf %sub3A_71, %dot_general3A_70 : vector<1024x128xf32>
    %swap3A_73 = arith.constant 0 : index
    %swap3A_74 = arith.constant 0 : index
    %swap3A_75 = vector.load %arg15[%swap3A_73, %swap3A_74] : memref<1024x128xf32, #tpu.memory_space<vmem>>, vector<1024x128xf32>
    tpu.vector_store %arg15[%swap3A_73, %swap3A_74], %sub3A_72 {strides = array<i32>} : memref<1024x128xf32, #tpu.memory_space<vmem>>, vector<1024x128xf32>,
    return
  }
}

module attributes {stable_mosaic.version = 14 : i64} {
  func.func @_ball_tc_kernel(%arg0: i32, %arg1: memref<1x512x3xf32, #tpu.memory_space<vmem>>, %arg2: memref<1x3x16384xf32, #tpu.memory_space<vmem>>, %arg3: memref<1024x1024xf32, #tpu.memory_space<vmem>>, %arg4: memref<1x512x16xi32, #tpu.memory_space<vmem>>, %arg5: memref<1x512x32xi32, #tpu.memory_space<vmem>>) attributes {dimension_semantics = [#tpu.dimension_semantics<arbitrary>], iteration_bounds = array<i64: 1>, scalar_prefetch = 0 : i64, scratch_operands = 0 : i64, tpu.core_type = #tpu.core_type<tc>, window_params = [{transform_indices = @transform_0, window_bounds = array<i64: 1, 512, 3>}, {transform_indices = @transform_1, window_bounds = array<i64: 1, 3, 16384>}, {pipeline_mode = #tpu.pipeline_mode<synchronous>, transform_indices = @transform_2, window_bounds = array<i64: 1024, 1024>}, {transform_indices = @transform_3, window_bounds = array<i64: 1, 512, 16>}, {transform_indices = @transform_4, window_bounds = array<i64: 1, 512, 32>}]} {
    %get3A = arith.constant 0 : index
    %get3A_0 = arith.constant 0 : index
    %get3A_1 = arith.constant 0 : index
    %get3A_2 = vector.load %arg1[%get3A, %get3A_0, %get3A_1] : memref<1x512x3xf32, #tpu.memory_space<vmem>>, vector<1x512x3xf32>
    %get3A_3 = vector.shape_cast %get3A_2 : vector<1x512x3xf32> to vector<512x3xf32>
    %get3A_4 = arith.constant 0 : index
    %get3A_5 = arith.constant 0 : index
    %get3A_6 = vector.load %arg3[%get3A_4, %get3A_5] : memref<1024x1024xf32, #tpu.memory_space<vmem>>, vector<1024x1024xf32>
    %iota3A = tpu.iota {dimensions = array<i32: 1>} : vector<1x16xi32>
    %iota3A_7 = tpu.iota {dimensions = array<i32: 1>} : vector<1x32xi32>
    %iota3A_8 = tpu.iota {dimensions = array<i32: 1>} : vector<1x1024xi32>
    %convert_element_type3A = arith.sitofp %iota3A_8 : vector<1x1024xi32> to vector<1x1024xf32>
    %broadcast_in_dim3A = arith.constant 0.000000e+00 : f32
    %broadcast_in_dim3A_9 = vector.broadcast %broadcast_in_dim3A : f32 to vector<512x1xf32>
    %broadcast_in_dim3A_10 = arith.constant 0.000000e+00 : f32
    %broadcast_in_dim3A_11 = vector.broadcast %broadcast_in_dim3A_10 : f32 to vector<512x16xf32>
    %broadcast_in_dim3A_12 = arith.constant 0.000000e+00 : f32
    %broadcast_in_dim3A_13 = vector.broadcast %broadcast_in_dim3A_12 : f32 to vector<512x32xf32>
    %scan3A = arith.constant 0 : i32
    %scan3A_14 = arith.constant 16 : i32
    %scan3A_15 = arith.addi %scan3A, %scan3A_14 : i32
    %scan3A_16 = arith.constant 1 : i32
    %scan3A_17:4 = scf.for %scan3A_43 = %scan3A to %scan3A_15 step %scan3A_16 iter_args(%scan3A_44 = %broadcast_in_dim3A_9, %scan3A_45 = %broadcast_in_dim3A_9, %scan3A_46 = %broadcast_in_dim3A_11, %scan3A_47 = %broadcast_in_dim3A_13) -> (vector<512x1xf32>, vector<512x1xf32>, vector<512x16xf32>, vector<512x32xf32>)  : i32 {
      %reduce_min3A = vector.shape_cast %scan3A_44 : vector<512x1xf32> to vector<1x512x1xf32>
      %reduce_min3A_48 = arith.constant dense<0x7F800000> : vector<1xf32>
      %reduce_min3A_49 = vector.multi_reduction <minimumf>, %reduce_min3A, %reduce_min3A_48 [1, 2] : vector<1x512x1xf32> to vector<1xf32>
      %reduce_min3A_50 = vector.shape_cast %reduce_min3A_49 : vector<1xf32> to vector<1x1x1xf32>
      %reduce_min3A_51 = vector.extract %reduce_min3A_50[0, 0, 0] : f32 from vector<1x1x1xf32>
      %lt3A_52 = arith.constant 1.600000e+01 : f32
      %lt3A_53 = arith.cmpf olt, %reduce_min3A_51, %lt3A_52 : f32
      %reduce_min3A_54 = vector.shape_cast %scan3A_45 : vector<512x1xf32> to vector<1x512x1xf32>
      %reduce_min3A_55 = arith.constant dense<0x7F800000> : vector<1xf32>
      %reduce_min3A_56 = vector.multi_reduction <minimumf>, %reduce_min3A_54, %reduce_min3A_55 [1, 2] : vector<1x512x1xf32> to vector<1xf32>
      %reduce_min3A_57 = vector.shape_cast %reduce_min3A_56 : vector<1xf32> to vector<1x1x1xf32>
      %reduce_min3A_58 = vector.extract %reduce_min3A_57[0, 0, 0] : f32 from vector<1x1x1xf32>
      %lt3A_59 = arith.constant 3.200000e+01 : f32
      %lt3A_60 = arith.cmpf olt, %reduce_min3A_58, %lt3A_59 : f32
      %or3A = arith.ori %lt3A_53, %lt3A_60 : i1
      %convert_element_type3A_61 = arith.extui %or3A : i1 to i32
      %cond3A = arith.constant 0 : i32
      %cond3A_62 = arith.cmpi ne, %convert_element_type3A_61, %cond3A : i32
      %cond3A_63:4 = scf.if %cond3A_62 -> (vector<512x1xf32>, vector<512x1xf32>, vector<512x16xf32>, vector<512x32xf32>) {
        %mul3A = arith.constant 1024 : i32
        %mul3A_64 = arith.muli %scan3A_43, %mul3A : i32
        %get3A_65 = arith.constant 0 : index
        %get3A_66 = arith.constant 0 : index
        %get3A_67 = arith.index_cast %mul3A_64 : i32 to index
        %get3A_68 = vector.load %arg2[%get3A_65, %get3A_66, %get3A_67] : memref<1x3x16384xf32, #tpu.memory_space<vmem>>, vector<1x3x1024xf32>
        %get3A_69 = vector.shape_cast %get3A_68 : vector<1x3x1024xf32> to vector<3x1024xf32>
        %slice3A_70 = vector.extract_strided_slice %get3A_3 {offsets = [0, 0], sizes = [512, 1], strides = [1, 1]} : vector<512x3xf32> to vector<512x1xf32>
        %slice3A_71 = vector.extract_strided_slice %get3A_69 {offsets = [0, 0], sizes = [1, 1024], strides = [1, 1]} : vector<3x1024xf32> to vector<1x1024xf32>
        %sub3A = vector.broadcast %slice3A_70 : vector<512x1xf32> to vector<512x1024xf32>
        %sub3A_72 = vector.broadcast %slice3A_71 : vector<1x1024xf32> to vector<512x1024xf32>
        %sub3A_73 = arith.subf %sub3A, %sub3A_72 : vector<512x1024xf32>
        %slice3A_74 = vector.extract_strided_slice %get3A_3 {offsets = [0, 1], sizes = [512, 1], strides = [1, 1]} : vector<512x3xf32> to vector<512x1xf32>
        %slice3A_75 = vector.extract_strided_slice %get3A_69 {offsets = [1, 0], sizes = [1, 1024], strides = [1, 1]} : vector<3x1024xf32> to vector<1x1024xf32>
        %sub3A_76 = vector.broadcast %slice3A_74 : vector<512x1xf32> to vector<512x1024xf32>
        %sub3A_77 = vector.broadcast %slice3A_75 : vector<1x1024xf32> to vector<512x1024xf32>
        %sub3A_78 = arith.subf %sub3A_76, %sub3A_77 : vector<512x1024xf32>
        %slice3A_79 = vector.extract_strided_slice %get3A_3 {offsets = [0, 2], sizes = [512, 1], strides = [1, 1]} : vector<512x3xf32> to vector<512x1xf32>
        %slice3A_80 = vector.extract_strided_slice %get3A_69 {offsets = [2, 0], sizes = [1, 1024], strides = [1, 1]} : vector<3x1024xf32> to vector<1x1024xf32>
        %sub3A_81 = vector.broadcast %slice3A_79 : vector<512x1xf32> to vector<512x1024xf32>
        %sub3A_82 = vector.broadcast %slice3A_80 : vector<1x1024xf32> to vector<512x1024xf32>
        %sub3A_83 = arith.subf %sub3A_81, %sub3A_82 : vector<512x1024xf32>
        %mul3A_84 = arith.mulf %sub3A_73, %sub3A_73 : vector<512x1024xf32>
        %mul3A_85 = arith.mulf %sub3A_78, %sub3A_78 : vector<512x1024xf32>
        %add3A = arith.addf %mul3A_84, %mul3A_85 : vector<512x1024xf32>
        %mul3A_86 = arith.mulf %sub3A_83, %sub3A_83 : vector<512x1024xf32>
        %add3A_87 = arith.addf %add3A, %mul3A_86 : vector<512x1024xf32>
        %mul3A_88 = arith.constant 1024 : i32
        %mul3A_89 = arith.muli %scan3A_43, %mul3A_88 : i32
        %convert_element_type3A_90 = arith.sitofp %mul3A_89 : i32 to f32
        %add3A_91 = vector.broadcast %convert_element_type3A_90 : f32 to vector<1x1024xf32>
        %add3A_92 = arith.addf %convert_element_type3A, %add3A_91 : vector<1x1024xf32>
        %le3A = arith.constant 6.400000e-01 : f32
        %le3A_93 = vector.broadcast %le3A : f32 to vector<512x1024xf32>
        %le3A_94 = arith.cmpf ole, %add3A_87, %le3A_93 : vector<512x1024xf32>
        %convert_element_type3A_95 = arith.extui %le3A_94 : vector<512x1024xi1> to vector<512x1024xi32>
        %convert_element_type3A_96 = arith.sitofp %convert_element_type3A_95 : vector<512x1024xi32> to vector<512x1024xf32>
        %le3A_97 = arith.constant 2.560000e+00 : f32
        %le3A_98 = vector.broadcast %le3A_97 : f32 to vector<512x1024xf32>
        %le3A_99 = arith.cmpf ole, %add3A_87, %le3A_98 : vector<512x1024xf32>
        %convert_element_type3A_100 = arith.extui %le3A_99 : vector<512x1024xi1> to vector<512x1024xi32>
        %convert_element_type3A_101 = arith.sitofp %convert_element_type3A_100 : vector<512x1024xi32> to vector<512x1024xf32>
        %reduce_sum3A = arith.constant dense<0.000000e+00> : vector<512xf32>
        %reduce_sum3A_102 = vector.multi_reduction <add>, %convert_element_type3A_96, %reduce_sum3A [1] : vector<512x1024xf32> to vector<512xf32>
        %broadcast_in_dim3A_103 = vector.shape_cast %reduce_sum3A_102 : vector<512xf32> to vector<512x1xf32>
        %reduce_sum3A_104 = arith.constant dense<0.000000e+00> : vector<512xf32>
        %reduce_sum3A_105 = vector.multi_reduction <add>, %convert_element_type3A_101, %reduce_sum3A_104 [1] : vector<512x1024xf32> to vector<512xf32>
        %broadcast_in_dim3A_106 = vector.shape_cast %reduce_sum3A_105 : vector<512xf32> to vector<512x1xf32>
        %add3A_107 = arith.addf %scan3A_44, %broadcast_in_dim3A_103 : vector<512x1xf32>
        %add3A_108 = arith.addf %scan3A_45, %broadcast_in_dim3A_106 : vector<512x1xf32>
        %lt3A_109 = arith.constant 1.600000e+01 : f32
        %lt3A_110 = vector.broadcast %lt3A_109 : f32 to vector<512x1xf32>
        %lt3A_111 = arith.cmpf olt, %scan3A_44, %lt3A_110 : vector<512x1xf32>
        %gt3A = arith.constant 0.000000e+00 : f32
        %gt3A_112 = vector.broadcast %gt3A : f32 to vector<512x1xf32>
        %gt3A_113 = arith.cmpf ogt, %broadcast_in_dim3A_103, %gt3A_112 : vector<512x1xf32>
        %and3A = arith.andi %lt3A_111, %gt3A_113 : vector<512x1xi1>
        %jit3A = arith.constant 1.600000e+01 : f32
        %broadcast_in_dim3A_114 = vector.broadcast %jit3A : f32 to vector<512x1xf32>
        %select_n3A_115 = arith.select %and3A, %scan3A_44, %broadcast_in_dim3A_114 : vector<512x1xi1>, vector<512x1xf32>
        %reduce_min3A_116 = vector.shape_cast %select_n3A_115 : vector<512x1xf32> to vector<1x512x1xf32>
        %reduce_min3A_117 = arith.constant dense<0x7F800000> : vector<1xf32>
        %reduce_min3A_118 = vector.multi_reduction <minimumf>, %reduce_min3A_116, %reduce_min3A_117 [1, 2] : vector<1x512x1xf32> to vector<1xf32>
        %reduce_min3A_119 = vector.shape_cast %reduce_min3A_118 : vector<1xf32> to vector<1x1x1xf32>
        %reduce_min3A_120 = vector.extract %reduce_min3A_119[0, 0, 0] : f32 from vector<1x1x1xf32>
        %add3A_121 = arith.constant 1.000000e+00 : f32
        %add3A_122 = arith.addf %reduce_min3A_120, %add3A_121 : f32
        %min3A = arith.constant 1.600000e+01 : f32
        %min3A_123 = vector.broadcast %min3A : f32 to vector<512x1xf32>
        %min3A_124 = arith.minimumf %add3A_107, %min3A_123 : vector<512x1xf32>
        %jit3A_125 = arith.constant 0.000000e+00 : f32
        %broadcast_in_dim3A_126 = vector.broadcast %jit3A_125 : f32 to vector<512x1xf32>
        %select_n3A_127 = arith.select %and3A, %min3A_124, %broadcast_in_dim3A_126 : vector<512x1xi1>, vector<512x1xf32>
        %reduce_max3A = vector.shape_cast %select_n3A_127 : vector<512x1xf32> to vector<1x512x1xf32>
        %reduce_max3A_128 = arith.constant dense<0xFF800000> : vector<1xf32>
        %reduce_max3A_129 = vector.multi_reduction <maximumf>, %reduce_max3A, %reduce_max3A_128 [1, 2] : vector<1x512x1xf32> to vector<1xf32>
        %reduce_max3A_130 = vector.shape_cast %reduce_max3A_129 : vector<1xf32> to vector<1x1x1xf32>
        %reduce_max3A_131 = vector.extract %reduce_max3A_130[0, 0, 0] : f32 from vector<1x1x1xf32>
        %convert_element_type3A_132 = arith.fptosi %add3A_122 : f32 to i32
        %convert_element_type3A_133 = arith.fptosi %reduce_max3A_131 : f32 to i32
        %lt3A_134 = arith.constant 3.200000e+01 : f32
        %lt3A_135 = vector.broadcast %lt3A_134 : f32 to vector<512x1xf32>
        %lt3A_136 = arith.cmpf olt, %scan3A_45, %lt3A_135 : vector<512x1xf32>
        %gt3A_137 = arith.constant 0.000000e+00 : f32
        %gt3A_138 = vector.broadcast %gt3A_137 : f32 to vector<512x1xf32>
        %gt3A_139 = arith.cmpf ogt, %broadcast_in_dim3A_106, %gt3A_138 : vector<512x1xf32>
        %and3A_140 = arith.andi %lt3A_136, %gt3A_139 : vector<512x1xi1>
        %jit3A_141 = arith.constant 3.200000e+01 : f32
        %broadcast_in_dim3A_142 = vector.broadcast %jit3A_141 : f32 to vector<512x1xf32>
        %select_n3A_143 = arith.select %and3A_140, %scan3A_45, %broadcast_in_dim3A_142 : vector<512x1xi1>, vector<512x1xf32>
        %reduce_min3A_144 = vector.shape_cast %select_n3A_143 : vector<512x1xf32> to vector<1x512x1xf32>
        %reduce_min3A_145 = arith.constant dense<0x7F800000> : vector<1xf32>
        %reduce_min3A_146 = vector.multi_reduction <minimumf>, %reduce_min3A_144, %reduce_min3A_145 [1, 2] : vector<1x512x1xf32> to vector<1xf32>
        %reduce_min3A_147 = vector.shape_cast %reduce_min3A_146 : vector<1xf32> to vector<1x1x1xf32>
        %reduce_min3A_148 = vector.extract %reduce_min3A_147[0, 0, 0] : f32 from vector<1x1x1xf32>
        %add3A_149 = arith.constant 1.000000e+00 : f32
        %add3A_150 = arith.addf %reduce_min3A_148, %add3A_149 : f32
        %min3A_151 = arith.constant 3.200000e+01 : f32
        %min3A_152 = vector.broadcast %min3A_151 : f32 to vector<512x1xf32>
        %min3A_153 = arith.minimumf %add3A_108, %min3A_152 : vector<512x1xf32>
        %jit3A_154 = arith.constant 0.000000e+00 : f32
        %broadcast_in_dim3A_155 = vector.broadcast %jit3A_154 : f32 to vector<512x1xf32>
        %select_n3A_156 = arith.select %and3A_140, %min3A_153, %broadcast_in_dim3A_155 : vector<512x1xi1>, vector<512x1xf32>
        %reduce_max3A_157 = vector.shape_cast %select_n3A_156 : vector<512x1xf32> to vector<1x512x1xf32>
        %reduce_max3A_158 = arith.constant dense<0xFF800000> : vector<1xf32>
        %reduce_max3A_159 = vector.multi_reduction <maximumf>, %reduce_max3A_157, %reduce_max3A_158 [1, 2] : vector<1x512x1xf32> to vector<1xf32>
        %reduce_max3A_160 = vector.shape_cast %reduce_max3A_159 : vector<1xf32> to vector<1x1x1xf32>
        %reduce_max3A_161 = vector.extract %reduce_max3A_160[0, 0, 0] : f32 from vector<1x1x1xf32>
        %convert_element_type3A_162 = arith.fptosi %add3A_150 : f32 to i32
        %convert_element_type3A_163 = arith.fptosi %reduce_max3A_161 : f32 to i32
        %ge3A = arith.cmpi sge, %convert_element_type3A_133, %convert_element_type3A_132 : i32
        %convert_element_type3A_164 = arith.extui %ge3A : i1 to i32
        %cond3A_165 = arith.constant 0 : i32
        %cond3A_166 = arith.cmpi ne, %convert_element_type3A_164, %cond3A_165 : i32
        %cond3A_167 = scf.if %cond3A_166 -> (vector<512x16xf32>) {
          %dot_general3A = arith.constant dense<0.000000e+00> : vector<512x1024xf32>
          %dot_general3A_173 = tpu.matmul %convert_element_type3A_96, %get3A_6, %dot_general3A {dimension_numbers = #tpu.dot_dimension_numbers<[1], [0], [0], [1], [0, 0, 1, 1], [], []>, transpose_lhs_hint = false} : vector<512x1024xf32>, vector<1024x1024xf32>, vector<512x1024xf32> -> vector<512x1024xf32>
          %add3A_174 = vector.broadcast %scan3A_44 : vector<512x1xf32> to vector<512x1024xf32>
          %add3A_175 = arith.addf %dot_general3A_173, %add3A_174 : vector<512x1024xf32>
          %gt3A_176 = arith.constant 0.000000e+00 : f32
          %gt3A_177 = vector.broadcast %gt3A_176 : f32 to vector<512x1024xf32>
          %gt3A_178 = arith.cmpf ogt, %convert_element_type3A_96, %gt3A_177 : vector<512x1024xf32>
          %jit3A_179 = arith.constant 0.000000e+00 : f32
          %broadcast_in_dim3A_180 = vector.broadcast %jit3A_179 : f32 to vector<512x1024xf32>
          %select_n3A_181 = arith.select %gt3A_178, %add3A_175, %broadcast_in_dim3A_180 : vector<512x1024xi1>, vector<512x1024xf32>
          %add3A_182 = arith.constant 1 : i32
          %add3A_183 = arith.addi %convert_element_type3A_133, %add3A_182 : i32
          %while3A = arith.subi %add3A_183, %convert_element_type3A_132 : i32
          %while3A_184 = arith.addi %convert_element_type3A_132, %while3A : i32
          %while3A_185 = arith.constant 1 : i32
          %while3A_186 = arith.divsi %while3A, %while3A_185 : i32
          %while3A_187 = arith.muli %while3A_186, %while3A_185 : i32
          %while3A_188 = arith.addi %convert_element_type3A_132, %while3A_187 : i32
          %while3A_189 = arith.constant 1 : i32
          %while3A_190 = scf.for %while3A_193 = %convert_element_type3A_132 to %while3A_188 step %while3A_189 iter_args(%while3A_194 = %scan3A_46) -> (vector<512x16xf32>)  : i32 {
            %convert_element_type3A_195 = arith.sitofp %while3A_193 : i32 to f32
            %eq3A = vector.broadcast %convert_element_type3A_195 : f32 to vector<512x1024xf32>
            %eq3A_196 = arith.cmpf oeq, %select_n3A_181, %eq3A : vector<512x1024xf32>
            %jit3A_197 = arith.constant 0.000000e+00 : f32
            %broadcast_in_dim3A_198 = vector.shape_cast %add3A_92 : vector<1x1024xf32> to vector<1x1024xf32>
            %broadcast_in_dim3A_199 = vector.broadcast %broadcast_in_dim3A_198 : vector<1x1024xf32> to vector<512x1024xf32>
            %broadcast_in_dim3A_200 = vector.broadcast %jit3A_197 : f32 to vector<512x1024xf32>
            %select_n3A_201 = arith.select %eq3A_196, %broadcast_in_dim3A_199, %broadcast_in_dim3A_200 : vector<512x1024xi1>, vector<512x1024xf32>
            %reduce_sum3A_202 = arith.constant dense<0.000000e+00> : vector<512xf32>
            %reduce_sum3A_203 = vector.multi_reduction <add>, %select_n3A_201, %reduce_sum3A_202 [1] : vector<512x1024xf32> to vector<512xf32>
            %broadcast_in_dim3A_204 = vector.shape_cast %reduce_sum3A_203 : vector<512xf32> to vector<512x1xf32>
            %sub3A_205 = arith.constant 1 : i32
            %sub3A_206 = arith.subi %while3A_193, %sub3A_205 : i32
            %eq3A_207 = vector.broadcast %sub3A_206 : i32 to vector<1x16xi32>
            %eq3A_208 = arith.cmpi eq, %iota3A, %eq3A_207 : vector<1x16xi32>
            %jit3A_209 = arith.constant 0.000000e+00 : f32
            %broadcast_in_dim3A_210 = vector.shape_cast %eq3A_208 : vector<1x16xi1> to vector<1x16xi1>
            %broadcast_in_dim3A_211 = vector.broadcast %broadcast_in_dim3A_210 : vector<1x16xi1> to vector<512x16xi1>
            %broadcast_in_dim3A_212 = vector.shape_cast %broadcast_in_dim3A_204 : vector<512x1xf32> to vector<512x1xf32>
            %broadcast_in_dim3A_213 = vector.broadcast %broadcast_in_dim3A_212 : vector<512x1xf32> to vector<512x16xf32>
            %broadcast_in_dim3A_214 = vector.broadcast %jit3A_209 : f32 to vector<512x16xf32>
            %select_n3A_215 = arith.select %broadcast_in_dim3A_211, %broadcast_in_dim3A_213, %broadcast_in_dim3A_214 : vector<512x16xi1>, vector<512x16xf32>
            %add3A_216 = arith.addf %while3A_194, %select_n3A_215 : vector<512x16xf32>
            scf.yield %add3A_216 : vector<512x16xf32>
          }
          %while3A_191 = arith.constant 1 : i32
          %while3A_192 = scf.for %while3A_193 = %while3A_188 to %while3A_184 step %while3A_191 iter_args(%while3A_194 = %while3A_190) -> (vector<512x16xf32>)  : i32 {
            %convert_element_type3A_195 = arith.sitofp %while3A_193 : i32 to f32
            %eq3A = vector.broadcast %convert_element_type3A_195 : f32 to vector<512x1024xf32>
            %eq3A_196 = arith.cmpf oeq, %select_n3A_181, %eq3A : vector<512x1024xf32>
            %jit3A_197 = arith.constant 0.000000e+00 : f32
            %broadcast_in_dim3A_198 = vector.shape_cast %add3A_92 : vector<1x1024xf32> to vector<1x1024xf32>
            %broadcast_in_dim3A_199 = vector.broadcast %broadcast_in_dim3A_198 : vector<1x1024xf32> to vector<512x1024xf32>
            %broadcast_in_dim3A_200 = vector.broadcast %jit3A_197 : f32 to vector<512x1024xf32>
            %select_n3A_201 = arith.select %eq3A_196, %broadcast_in_dim3A_199, %broadcast_in_dim3A_200 : vector<512x1024xi1>, vector<512x1024xf32>
            %reduce_sum3A_202 = arith.constant dense<0.000000e+00> : vector<512xf32>
            %reduce_sum3A_203 = vector.multi_reduction <add>, %select_n3A_201, %reduce_sum3A_202 [1] : vector<512x1024xf32> to vector<512xf32>
            %broadcast_in_dim3A_204 = vector.shape_cast %reduce_sum3A_203 : vector<512xf32> to vector<512x1xf32>
            %sub3A_205 = arith.constant 1 : i32
            %sub3A_206 = arith.subi %while3A_193, %sub3A_205 : i32
            %eq3A_207 = vector.broadcast %sub3A_206 : i32 to vector<1x16xi32>
            %eq3A_208 = arith.cmpi eq, %iota3A, %eq3A_207 : vector<1x16xi32>
            %jit3A_209 = arith.constant 0.000000e+00 : f32
            %broadcast_in_dim3A_210 = vector.shape_cast %eq3A_208 : vector<1x16xi1> to vector<1x16xi1>
            %broadcast_in_dim3A_211 = vector.broadcast %broadcast_in_dim3A_210 : vector<1x16xi1> to vector<512x16xi1>
            %broadcast_in_dim3A_212 = vector.shape_cast %broadcast_in_dim3A_204 : vector<512x1xf32> to vector<512x1xf32>
            %broadcast_in_dim3A_213 = vector.broadcast %broadcast_in_dim3A_212 : vector<512x1xf32> to vector<512x16xf32>
            %broadcast_in_dim3A_214 = vector.broadcast %jit3A_209 : f32 to vector<512x16xf32>
            %select_n3A_215 = arith.select %broadcast_in_dim3A_211, %broadcast_in_dim3A_213, %broadcast_in_dim3A_214 : vector<512x16xi1>, vector<512x16xf32>
            %add3A_216 = arith.addf %while3A_194, %select_n3A_215 : vector<512x16xf32>
            scf.yield %add3A_216 : vector<512x16xf32>
          }
          scf.yield %while3A_192 : vector<512x16xf32>
        } else {
          scf.yield %scan3A_46 : vector<512x16xf32>
        }
        %ge3A_168 = arith.cmpi sge, %convert_element_type3A_163, %convert_element_type3A_162 : i32
        %convert_element_type3A_169 = arith.extui %ge3A_168 : i1 to i32
        %cond3A_170 = arith.constant 0 : i32
        %cond3A_171 = arith.cmpi ne, %convert_element_type3A_169, %cond3A_170 : i32
        %cond3A_172 = scf.if %cond3A_171 -> (vector<512x32xf32>) {
          %dot_general3A = arith.constant dense<0.000000e+00> : vector<512x1024xf32>
          %dot_general3A_173 = tpu.matmul %convert_element_type3A_101, %get3A_6, %dot_general3A {dimension_numbers = #tpu.dot_dimension_numbers<[1], [0], [0], [1], [0, 0, 1, 1], [], []>, transpose_lhs_hint = false} : vector<512x1024xf32>, vector<1024x1024xf32>, vector<512x1024xf32> -> vector<512x1024xf32>
          %add3A_174 = vector.broadcast %scan3A_45 : vector<512x1xf32> to vector<512x1024xf32>
          %add3A_175 = arith.addf %dot_general3A_173, %add3A_174 : vector<512x1024xf32>
          %gt3A_176 = arith.constant 0.000000e+00 : f32
          %gt3A_177 = vector.broadcast %gt3A_176 : f32 to vector<512x1024xf32>
          %gt3A_178 = arith.cmpf ogt, %convert_element_type3A_101, %gt3A_177 : vector<512x1024xf32>
          %jit3A_179 = arith.constant 0.000000e+00 : f32
          %broadcast_in_dim3A_180 = vector.broadcast %jit3A_179 : f32 to vector<512x1024xf32>
          %select_n3A_181 = arith.select %gt3A_178, %add3A_175, %broadcast_in_dim3A_180 : vector<512x1024xi1>, vector<512x1024xf32>
          %add3A_182 = arith.constant 1 : i32
          %add3A_183 = arith.addi %convert_element_type3A_163, %add3A_182 : i32
          %while3A = arith.subi %add3A_183, %convert_element_type3A_162 : i32
          %while3A_184 = arith.addi %convert_element_type3A_162, %while3A : i32
          %while3A_185 = arith.constant 1 : i32
          %while3A_186 = arith.divsi %while3A, %while3A_185 : i32
          %while3A_187 = arith.muli %while3A_186, %while3A_185 : i32
          %while3A_188 = arith.addi %convert_element_type3A_162, %while3A_187 : i32
          %while3A_189 = arith.constant 1 : i32
          %while3A_190 = scf.for %while3A_193 = %convert_element_type3A_162 to %while3A_188 step %while3A_189 iter_args(%while3A_194 = %scan3A_47) -> (vector<512x32xf32>)  : i32 {
            %convert_element_type3A_195 = arith.sitofp %while3A_193 : i32 to f32
            %eq3A = vector.broadcast %convert_element_type3A_195 : f32 to vector<512x1024xf32>
            %eq3A_196 = arith.cmpf oeq, %select_n3A_181, %eq3A : vector<512x1024xf32>
            %jit3A_197 = arith.constant 0.000000e+00 : f32
            %broadcast_in_dim3A_198 = vector.shape_cast %add3A_92 : vector<1x1024xf32> to vector<1x1024xf32>
            %broadcast_in_dim3A_199 = vector.broadcast %broadcast_in_dim3A_198 : vector<1x1024xf32> to vector<512x1024xf32>
            %broadcast_in_dim3A_200 = vector.broadcast %jit3A_197 : f32 to vector<512x1024xf32>
            %select_n3A_201 = arith.select %eq3A_196, %broadcast_in_dim3A_199, %broadcast_in_dim3A_200 : vector<512x1024xi1>, vector<512x1024xf32>
            %reduce_sum3A_202 = arith.constant dense<0.000000e+00> : vector<512xf32>
            %reduce_sum3A_203 = vector.multi_reduction <add>, %select_n3A_201, %reduce_sum3A_202 [1] : vector<512x1024xf32> to vector<512xf32>
            %broadcast_in_dim3A_204 = vector.shape_cast %reduce_sum3A_203 : vector<512xf32> to vector<512x1xf32>
            %sub3A_205 = arith.constant 1 : i32
            %sub3A_206 = arith.subi %while3A_193, %sub3A_205 : i32
            %eq3A_207 = vector.broadcast %sub3A_206 : i32 to vector<1x32xi32>
            %eq3A_208 = arith.cmpi eq, %iota3A_7, %eq3A_207 : vector<1x32xi32>
            %jit3A_209 = arith.constant 0.000000e+00 : f32
            %broadcast_in_dim3A_210 = vector.shape_cast %eq3A_208 : vector<1x32xi1> to vector<1x32xi1>
            %broadcast_in_dim3A_211 = vector.broadcast %broadcast_in_dim3A_210 : vector<1x32xi1> to vector<512x32xi1>
            %broadcast_in_dim3A_212 = vector.shape_cast %broadcast_in_dim3A_204 : vector<512x1xf32> to vector<512x1xf32>
            %broadcast_in_dim3A_213 = vector.broadcast %broadcast_in_dim3A_212 : vector<512x1xf32> to vector<512x32xf32>
            %broadcast_in_dim3A_214 = vector.broadcast %jit3A_209 : f32 to vector<512x32xf32>
            %select_n3A_215 = arith.select %broadcast_in_dim3A_211, %broadcast_in_dim3A_213, %broadcast_in_dim3A_214 : vector<512x32xi1>, vector<512x32xf32>
            %add3A_216 = arith.addf %while3A_194, %select_n3A_215 : vector<512x32xf32>
            scf.yield %add3A_216 : vector<512x32xf32>
          }
          %while3A_191 = arith.constant 1 : i32
          %while3A_192 = scf.for %while3A_193 = %while3A_188 to %while3A_184 step %while3A_191 iter_args(%while3A_194 = %while3A_190) -> (vector<512x32xf32>)  : i32 {
            %convert_element_type3A_195 = arith.sitofp %while3A_193 : i32 to f32
            %eq3A = vector.broadcast %convert_element_type3A_195 : f32 to vector<512x1024xf32>
            %eq3A_196 = arith.cmpf oeq, %select_n3A_181, %eq3A : vector<512x1024xf32>
            %jit3A_197 = arith.constant 0.000000e+00 : f32
            %broadcast_in_dim3A_198 = vector.shape_cast %add3A_92 : vector<1x1024xf32> to vector<1x1024xf32>
            %broadcast_in_dim3A_199 = vector.broadcast %broadcast_in_dim3A_198 : vector<1x1024xf32> to vector<512x1024xf32>
            %broadcast_in_dim3A_200 = vector.broadcast %jit3A_197 : f32 to vector<512x1024xf32>
            %select_n3A_201 = arith.select %eq3A_196, %broadcast_in_dim3A_199, %broadcast_in_dim3A_200 : vector<512x1024xi1>, vector<512x1024xf32>
            %reduce_sum3A_202 = arith.constant dense<0.000000e+00> : vector<512xf32>
            %reduce_sum3A_203 = vector.multi_reduction <add>, %select_n3A_201, %reduce_sum3A_202 [1] : vector<512x1024xf32> to vector<512xf32>
            %broadcast_in_dim3A_204 = vector.shape_cast %reduce_sum3A_203 : vector<512xf32> to vector<512x1xf32>
            %sub3A_205 = arith.constant 1 : i32
            %sub3A_206 = arith.subi %while3A_193, %sub3A_205 : i32
            %eq3A_207 = vector.broadcast %sub3A_206 : i32 to vector<1x32xi32>
            %eq3A_208 = arith.cmpi eq, %iota3A_7, %eq3A_207 : vector<1x32xi32>
            %jit3A_209 = arith.constant 0.000000e+00 : f32
            %broadcast_in_dim3A_210 = vector.shape_cast %eq3A_208 : vector<1x32xi1> to vector<1x32xi1>
            %broadcast_in_dim3A_211 = vector.broadcast %broadcast_in_dim3A_210 : vector<1x32xi1> to vector<512x32xi1>
            %broadcast_in_dim3A_212 = vector.shape_cast %broadcast_in_dim3A_204 : vector<512x1xf32> to vector<512x1xf32>
            %broadcast_in_dim3A_213 = vector.broadcast %broadcast_in_dim3A_212 : vector<512x1xf32> to vector<512x32xf32>
            %broadcast_in_dim3A_214 = vector.broadcast %jit3A_209 : f32 to vector<512x32xf32>
            %select_n3A_215 = arith.select %broadcast_in_dim3A_211, %broadcast_in_dim3A_213, %broadcast_in_dim3A_214 : vector<512x32xi1>, vector<512x32xf32>
            %add3A_216 = arith.addf %while3A_194, %select_n3A_215 : vector<512x32xf32>
            scf.yield %add3A_216 : vector<512x32xf32>
          }
          scf.yield %while3A_192 : vector<512x32xf32>
        } else {
          scf.yield %scan3A_47 : vector<512x32xf32>
        }
        scf.yield %add3A_107, %add3A_108, %cond3A_167, %cond3A_172 : vector<512x1xf32>, vector<512x1xf32>, vector<512x16xf32>, vector<512x32xf32>
      } else {
        scf.yield %scan3A_44, %scan3A_45, %scan3A_46, %scan3A_47 : vector<512x1xf32>, vector<512x1xf32>, vector<512x16xf32>, vector<512x32xf32>
      }
      scf.yield %cond3A_63#0, %cond3A_63#1, %cond3A_63#2, %cond3A_63#3 : vector<512x1xf32>, vector<512x1xf32>, vector<512x16xf32>, vector<512x32xf32>
    }
    %scan3A_18 = arith.constant 16 : i32
    %slice3A = vector.extract_strided_slice %scan3A_17#2 {offsets = [0, 0], sizes = [512, 1], strides = [1, 1]} : vector<512x16xf32> to vector<512x1xf32>
    %convert_element_type3A_19 = arith.sitofp %iota3A : vector<1x16xi32> to vector<1x16xf32>
    %lt3A = vector.broadcast %convert_element_type3A_19 : vector<1x16xf32> to vector<512x16xf32>
    %lt3A_20 = vector.broadcast %scan3A_17#0 : vector<512x1xf32> to vector<512x16xf32>
    %lt3A_21 = arith.cmpf olt, %lt3A, %lt3A_20 : vector<512x16xf32>
    %broadcast_in_dim3A_22 = vector.shape_cast %slice3A : vector<512x1xf32> to vector<512x1xf32>
    %broadcast_in_dim3A_23 = vector.broadcast %broadcast_in_dim3A_22 : vector<512x1xf32> to vector<512x16xf32>
    %select_n3A = arith.select %lt3A_21, %scan3A_17#2, %broadcast_in_dim3A_23 : vector<512x16xi1>, vector<512x16xf32>
    %slice3A_24 = vector.extract_strided_slice %scan3A_17#3 {offsets = [0, 0], sizes = [512, 1], strides = [1, 1]} : vector<512x32xf32> to vector<512x1xf32>
    %convert_element_type3A_25 = arith.sitofp %iota3A_7 : vector<1x32xi32> to vector<1x32xf32>
    %lt3A_26 = vector.broadcast %convert_element_type3A_25 : vector<1x32xf32> to vector<512x32xf32>
    %lt3A_27 = vector.broadcast %scan3A_17#1 : vector<512x1xf32> to vector<512x32xf32>
    %lt3A_28 = arith.cmpf olt, %lt3A_26, %lt3A_27 : vector<512x32xf32>
    %broadcast_in_dim3A_29 = vector.shape_cast %slice3A_24 : vector<512x1xf32> to vector<512x1xf32>
    %broadcast_in_dim3A_30 = vector.broadcast %broadcast_in_dim3A_29 : vector<512x1xf32> to vector<512x32xf32>
    %select_n3A_31 = arith.select %lt3A_28, %scan3A_17#3, %broadcast_in_dim3A_30 : vector<512x32xi1>, vector<512x32xf32>
    %convert_element_type3A_32 = arith.fptosi %select_n3A : vector<512x16xf32> to vector<512x16xi32>
    %broadcast_in_dim3A_33 = vector.shape_cast %convert_element_type3A_32 : vector<512x16xi32> to vector<1x512x16xi32>
    %swap3A = arith.constant 0 : index
    %swap3A_34 = arith.constant 0 : index
    %swap3A_35 = arith.constant 0 : index
    %swap3A_36 = vector.load %arg4[%swap3A, %swap3A_34, %swap3A_35] : memref<1x512x16xi32, #tpu.memory_space<vmem>>, vector<1x512x16xi32>
    tpu.vector_store %arg4[%swap3A, %swap3A_34, %swap3A_35], %broadcast_in_dim3A_33 {strides = array<i32>} : memref<1x512x16xi32, #tpu.memory_space<vmem>>, vector<1x512x16xi32>,
    %convert_element_type3A_37 = arith.fptosi %select_n3A_31 : vector<512x32xf32> to vector<512x32xi32>
    %broadcast_in_dim3A_38 = vector.shape_cast %convert_element_type3A_37 : vector<512x32xi32> to vector<1x512x32xi32>
    %swap3A_39 = arith.constant 0 : index
    %swap3A_40 = arith.constant 0 : index
    %swap3A_41 = arith.constant 0 : index
    %swap3A_42 = vector.load %arg5[%swap3A_39, %swap3A_40, %swap3A_41] : memref<1x512x32xi32, #tpu.memory_space<vmem>>, vector<1x512x32xi32>
    tpu.vector_store %arg5[%swap3A_39, %swap3A_40, %swap3A_41], %broadcast_in_dim3A_38 {strides = array<i32>} : memref<1x512x32xi32, #tpu.memory_space<vmem>>, vector<1x512x32xi32>,
    return
  }
  func.func @transform_0(%arg0: i32) -> (i32, i32, i32) {
    %c0_i32 = arith.constant 0 : i32
    %c0_i32_0 = arith.constant 0 : i32
    %c0_i32_1 = arith.constant 0 : i32
    return %arg0, %c0_i32, %c0_i32_0 : i32, i32, i32
  }
  func.func @transform_1(%arg0: i32) -> (i32, i32, i32) {
    %c0_i32 = arith.constant 0 : i32
    %c0_i32_0 = arith.constant 0 : i32
    %c0_i32_1 = arith.constant 0 : i32
    return %arg0, %c0_i32, %c0_i32_0 : i32, i32, i32
  }
  func.func @transform_2(%arg0: i32) -> (i32, i32) {
    %c0_i32 = arith.constant 0 : i32
    %c0_i32_0 = arith.constant 0 : i32
    %c0_i32_1 = arith.constant 0 : i32
    return %c0_i32, %c0_i32_0 : i32, i32
  }
  func.func @transform_3(%arg0: i32) -> (i32, i32, i32) {
    %c0_i32 = arith.constant 0 : i32
    %c0_i32_0 = arith.constant 0 : i32
    %c0_i32_1 = arith.constant 0 : i32
    return %arg0, %c0_i32, %c0_i32_0 : i32, i32, i32
  }
  func.func @transform_4(%arg0: i32) -> (i32, i32, i32) {
    %c0_i32 = arith.constant 0 : i32
    %c0_i32_0 = arith.constant 0 : i32
    %c0_i32_1 = arith.constant 0 : i32
    return %arg0, %c0_i32, %c0_i32_0 : i32, i32, i32
  }
}

module attributes {stable_mosaic.version = 14 : i64} {
  func.func @_proj_kernel(%arg0: i32, %arg1: memref<2048x3xf32, #tpu.memory_space<vmem>>, %arg2: memref<2048x256xf32, #tpu.memory_space<vmem>>, %arg3: memref<3x128xf32, #tpu.memory_space<vmem>>, %arg4: memref<256x128xf32, #tpu.memory_space<vmem>>, %arg5: memref<3x128xf32, #tpu.memory_space<vmem>>, %arg6: memref<256x128xf32, #tpu.memory_space<vmem>>, %arg7: memref<2048x128xf32, #tpu.memory_space<vmem>>, %arg8: memref<2048x128xf32, #tpu.memory_space<vmem>>) attributes {dimension_semantics = [#tpu.dimension_semantics<arbitrary>], iteration_bounds = array<i64: 16>, scalar_prefetch = 0 : i64, scratch_operands = 0 : i64, tpu.core_type = #tpu.core_type<tc>, window_params = [{transform_indices = @transform_0, window_bounds = array<i64: 2048, 3>}, {transform_indices = @transform_1, window_bounds = array<i64: 2048, 256>}, {pipeline_mode = #tpu.pipeline_mode<synchronous>, transform_indices = @transform_2, window_bounds = array<i64: 3, 128>}, {pipeline_mode = #tpu.pipeline_mode<synchronous>, transform_indices = @transform_3, window_bounds = array<i64: 256, 128>}, {pipeline_mode = #tpu.pipeline_mode<synchronous>, transform_indices = @transform_4, window_bounds = array<i64: 3, 128>}, {pipeline_mode = #tpu.pipeline_mode<synchronous>, transform_indices = @transform_5, window_bounds = array<i64: 256, 128>}, {transform_indices = @transform_6, window_bounds = array<i64: 2048, 128>}, {transform_indices = @transform_7, window_bounds = array<i64: 2048, 128>}]} {
    %get3A = arith.constant 0 : index
    %get3A_0 = arith.constant 0 : index
    %get3A_1 = vector.load %arg1[%get3A, %get3A_0] : memref<2048x3xf32, #tpu.memory_space<vmem>>, vector<2048x3xf32>
    %get3A_2 = arith.constant 0 : index
    %get3A_3 = arith.constant 0 : index
    %get3A_4 = vector.load %arg2[%get3A_2, %get3A_3] : memref<2048x256xf32, #tpu.memory_space<vmem>>, vector<2048x256xf32>
    %get3A_5 = arith.constant 0 : index
    %get3A_6 = arith.constant 0 : index
    %get3A_7 = vector.load %arg4[%get3A_5, %get3A_6] : memref<256x128xf32, #tpu.memory_space<vmem>>, vector<256x128xf32>
    %dot_general3A = arith.constant dense<0.000000e+00> : vector<2048x128xf32>
    %dot_general3A_8 = tpu.matmul %get3A_4, %get3A_7, %dot_general3A {dimension_numbers = #tpu.dot_dimension_numbers<[1], [0], [0], [1], [0, 0, 1, 1], [], []>, transpose_lhs_hint = false} : vector<2048x256xf32>, vector<256x128xf32>, vector<2048x128xf32> -> vector<2048x128xf32>
    %get3A_9 = arith.constant 0 : index
    %get3A_10 = arith.constant 0 : index
    %get3A_11 = vector.load %arg3[%get3A_9, %get3A_10] : memref<3x128xf32, #tpu.memory_space<vmem>>, vector<3x128xf32>
    %dot_general3A_12 = arith.constant dense<0.000000e+00> : vector<2048x128xf32>
    %dot_general3A_13 = tpu.matmul %get3A_1, %get3A_11, %dot_general3A_12 {dimension_numbers = #tpu.dot_dimension_numbers<[1], [0], [0], [1], [0, 0, 1, 1], [], []>, transpose_lhs_hint = false} : vector<2048x3xf32>, vector<3x128xf32>, vector<2048x128xf32> -> vector<2048x128xf32>
    %add3A = arith.addf %dot_general3A_8, %dot_general3A_13 : vector<2048x128xf32>
    %swap3A = arith.constant 0 : index
    %swap3A_14 = arith.constant 0 : index
    %swap3A_15 = vector.load %arg7[%swap3A, %swap3A_14] : memref<2048x128xf32, #tpu.memory_space<vmem>>, vector<2048x128xf32>
    tpu.vector_store %arg7[%swap3A, %swap3A_14], %add3A {strides = array<i32>} : memref<2048x128xf32, #tpu.memory_space<vmem>>, vector<2048x128xf32>,
    %get3A_16 = arith.constant 0 : index
    %get3A_17 = arith.constant 0 : index
    %get3A_18 = vector.load %arg6[%get3A_16, %get3A_17] : memref<256x128xf32, #tpu.memory_space<vmem>>, vector<256x128xf32>
    %dot_general3A_19 = arith.constant dense<0.000000e+00> : vector<2048x128xf32>
    %dot_general3A_20 = tpu.matmul %get3A_4, %get3A_18, %dot_general3A_19 {dimension_numbers = #tpu.dot_dimension_numbers<[1], [0], [0], [1], [0, 0, 1, 1], [], []>, transpose_lhs_hint = false} : vector<2048x256xf32>, vector<256x128xf32>, vector<2048x128xf32> -> vector<2048x128xf32>
    %get3A_21 = arith.constant 0 : index
    %get3A_22 = arith.constant 0 : index
    %get3A_23 = vector.load %arg5[%get3A_21, %get3A_22] : memref<3x128xf32, #tpu.memory_space<vmem>>, vector<3x128xf32>
    %dot_general3A_24 = arith.constant dense<0.000000e+00> : vector<2048x128xf32>
    %dot_general3A_25 = tpu.matmul %get3A_1, %get3A_23, %dot_general3A_24 {dimension_numbers = #tpu.dot_dimension_numbers<[1], [0], [0], [1], [0, 0, 1, 1], [], []>, transpose_lhs_hint = false} : vector<2048x3xf32>, vector<3x128xf32>, vector<2048x128xf32> -> vector<2048x128xf32>
    %add3A_26 = arith.addf %dot_general3A_20, %dot_general3A_25 : vector<2048x128xf32>
    %swap3A_27 = arith.constant 0 : index
    %swap3A_28 = arith.constant 0 : index
    %swap3A_29 = vector.load %arg8[%swap3A_27, %swap3A_28] : memref<2048x128xf32, #tpu.memory_space<vmem>>, vector<2048x128xf32>
    tpu.vector_store %arg8[%swap3A_27, %swap3A_28], %add3A_26 {strides = array<i32>} : memref<2048x128xf32, #tpu.memory_space<vmem>>, vector<2048x128xf32>,
    return
  }
  func.func @transform_0(%arg0: i32) -> (i32, i32) {
    %c0_i32 = arith.constant 0 : i32
    %c0_i32_0 = arith.constant 0 : i32
    return %arg0, %c0_i32 : i32, i32
  }
  func.func @transform_1(%arg0: i32) -> (i32, i32) {
    %c0_i32 = arith.constant 0 : i32
    %c0_i32_0 = arith.constant 0 : i32
    return %arg0, %c0_i32 : i32, i32
  }
  func.func @transform_2(%arg0: i32) -> (i32, i32) {
    %c0_i32 = arith.constant 0 : i32
    %c0_i32_0 = arith.constant 0 : i32
    %c0_i32_1 = arith.constant 0 : i32
    return %c0_i32, %c0_i32_0 : i32, i32
  }
  func.func @transform_3(%arg0: i32) -> (i32, i32) {
    %c0_i32 = arith.constant 0 : i32
    %c0_i32_0 = arith.constant 0 : i32
    %c0_i32_1 = arith.constant 0 : i32
    return %c0_i32, %c0_i32_0 : i32, i32
  }
  func.func @transform_4(%arg0: i32) -> (i32, i32) {
    %c0_i32 = arith.constant 0 : i32
    %c0_i32_0 = arith.constant 0 : i32
    %c0_i32_1 = arith.constant 0 : i32
    return %c0_i32, %c0_i32_0 : i32, i32
  }
  func.func @transform_5(%arg0: i32) -> (i32, i32) {
    %c0_i32 = arith.constant 0 : i32
    %c0_i32_0 = arith.constant 0 : i32
    %c0_i32_1 = arith.constant 0 : i32
    return %c0_i32, %c0_i32_0 : i32, i32
  }
  func.func @transform_6(%arg0: i32) -> (i32, i32) {
    %c0_i32 = arith.constant 0 : i32
    %c0_i32_0 = arith.constant 0 : i32
    return %arg0, %c0_i32 : i32, i32
  }
  func.func @transform_7(%arg0: i32) -> (i32, i32) {
    %c0_i32 = arith.constant 0 : i32
    %c0_i32_0 = arith.constant 0 : i32
    return %arg0, %c0_i32 : i32, i32
  }
}

module attributes {stable_mosaic.version = 14 : i64} {
  func.func @_head_kernel(%arg0: i32, %arg1: memref<2048x128xf32, #tpu.memory_space<vmem>>, %arg2: memref<4096x128xf32, #tpu.memory_space<vmem>>, %arg3: memref<128x128xf32, #tpu.memory_space<vmem>>, %arg4: memref<128x128xf32, #tpu.memory_space<vmem>>, %arg5: memref<128x256xf32, #tpu.memory_space<vmem>>, %arg6: memref<1x256xf32, #tpu.memory_space<vmem>>, %arg7: memref<128x256xf32, #tpu.memory_space<vmem>>, %arg8: memref<1x256xf32, #tpu.memory_space<vmem>>, %arg9: memref<512x512xf32, #tpu.memory_space<vmem>>, %arg10: memref<1x512xf32, #tpu.memory_space<vmem>>, %arg11: memref<128x512xf32, #tpu.memory_space<vmem>>) attributes {dimension_semantics = [#tpu.dimension_semantics<arbitrary>], iteration_bounds = array<i64: 4>, scalar_prefetch = 0 : i64, scratch_operands = 0 : i64, tpu.core_type = #tpu.core_type<tc>, window_params = [{transform_indices = @transform_0, window_bounds = array<i64: 2048, 128>}, {transform_indices = @transform_1, window_bounds = array<i64: 4096, 128>}, {transform_indices = @transform_2, window_bounds = array<i64: 128, 128>}, {transform_indices = @transform_3, window_bounds = array<i64: 128, 128>}, {pipeline_mode = #tpu.pipeline_mode<synchronous>, transform_indices = @transform_4, window_bounds = array<i64: 128, 256>}, {pipeline_mode = #tpu.pipeline_mode<synchronous>, transform_indices = @transform_5, window_bounds = array<i64: 1, 256>}, {pipeline_mode = #tpu.pipeline_mode<synchronous>, transform_indices = @transform_6, window_bounds = array<i64: 128, 256>}, {pipeline_mode = #tpu.pipeline_mode<synchronous>, transform_indices = @transform_7, window_bounds = array<i64: 1, 256>}, {pipeline_mode = #tpu.pipeline_mode<synchronous>, transform_indices = @transform_8, window_bounds = array<i64: 512, 512>}, {pipeline_mode = #tpu.pipeline_mode<synchronous>, transform_indices = @transform_9, window_bounds = array<i64: 1, 512>}, {transform_indices = @transform_10, window_bounds = array<i64: 128, 512>}]} {
    %get3A = arith.constant 0 : index
    %get3A_0 = arith.constant 0 : index
    %get3A_1 = vector.load %arg1[%get3A, %get3A_0] : memref<2048x128xf32, #tpu.memory_space<vmem>>, vector<2048x128xf32>
    %reshape3A = vector.shape_cast %get3A_1 : vector<2048x128xf32> to vector<128x16x128xf32>
    %get3A_2 = arith.constant 0 : index
    %get3A_3 = arith.constant 0 : index
    %get3A_4 = vector.load %arg3[%get3A_2, %get3A_3] : memref<128x128xf32, #tpu.memory_space<vmem>>, vector<128x128xf32>
    %broadcast_in_dim3A = vector.shape_cast %get3A_4 : vector<128x128xf32> to vector<128x1x128xf32>
    %add3A = vector.broadcast %broadcast_in_dim3A : vector<128x1x128xf32> to vector<128x16x128xf32>
    %add3A_5 = arith.addf %reshape3A, %add3A : vector<128x16x128xf32>
    %max3A = arith.constant 0.000000e+00 : f32
    %max3A_6 = vector.broadcast %max3A : f32 to vector<128x16x128xf32>
    %max3A_7 = arith.maximumf %add3A_5, %max3A_6 : vector<128x16x128xf32>
    %reshape3A_8 = vector.shape_cast %max3A_7 : vector<128x16x128xf32> to vector<2048x128xf32>
    %get3A_9 = arith.constant 0 : index
    %get3A_10 = arith.constant 0 : index
    %get3A_11 = vector.load %arg5[%get3A_9, %get3A_10] : memref<128x256xf32, #tpu.memory_space<vmem>>, vector<128x256xf32>
    %dot_general3A = arith.constant dense<0.000000e+00> : vector<2048x256xf32>
    %dot_general3A_12 = tpu.matmul %reshape3A_8, %get3A_11, %dot_general3A {dimension_numbers = #tpu.dot_dimension_numbers<[1], [0], [0], [1], [0, 0, 1, 1], [], []>, transpose_lhs_hint = false} : vector<2048x128xf32>, vector<128x256xf32>, vector<2048x256xf32> -> vector<2048x256xf32>
    %get3A_13 = arith.constant 0 : index
    %get3A_14 = arith.constant 0 : index
    %get3A_15 = vector.load %arg6[%get3A_13, %get3A_14] : memref<1x256xf32, #tpu.memory_space<vmem>>, vector<1x256xf32>
    %add3A_16 = vector.broadcast %get3A_15 : vector<1x256xf32> to vector<2048x256xf32>
    %add3A_17 = arith.addf %dot_general3A_12, %add3A_16 : vector<2048x256xf32>
    %max3A_18 = arith.constant 0.000000e+00 : f32
    %max3A_19 = vector.broadcast %max3A_18 : f32 to vector<2048x256xf32>
    %max3A_20 = arith.maximumf %add3A_17, %max3A_19 : vector<2048x256xf32>
    %reshape3A_21 = vector.shape_cast %max3A_20 : vector<2048x256xf32> to vector<128x16x256xf32>
    %slice3A = vector.extract_strided_slice %reshape3A_21 {offsets = [0, 0, 0], sizes = [128, 1, 256], strides = [1, 1, 1]} : vector<128x16x256xf32> to vector<128x1x256xf32>
    %squeeze3A = vector.shape_cast %slice3A : vector<128x1x256xf32> to vector<128x256xf32>
    %slice3A_22 = vector.extract_strided_slice %reshape3A_21 {offsets = [0, 1, 0], sizes = [128, 1, 256], strides = [1, 1, 1]} : vector<128x16x256xf32> to vector<128x1x256xf32>
    %squeeze3A_23 = vector.shape_cast %slice3A_22 : vector<128x1x256xf32> to vector<128x256xf32>
    %max3A_24 = arith.maximumf %squeeze3A, %squeeze3A_23 : vector<128x256xf32>
    %slice3A_25 = vector.extract_strided_slice %reshape3A_21 {offsets = [0, 2, 0], sizes = [128, 1, 256], strides = [1, 1, 1]} : vector<128x16x256xf32> to vector<128x1x256xf32>
    %squeeze3A_26 = vector.shape_cast %slice3A_25 : vector<128x1x256xf32> to vector<128x256xf32>
    %max3A_27 = arith.maximumf %max3A_24, %squeeze3A_26 : vector<128x256xf32>
    %slice3A_28 = vector.extract_strided_slice %reshape3A_21 {offsets = [0, 3, 0], sizes = [128, 1, 256], strides = [1, 1, 1]} : vector<128x16x256xf32> to vector<128x1x256xf32>
    %squeeze3A_29 = vector.shape_cast %slice3A_28 : vector<128x1x256xf32> to vector<128x256xf32>
    %max3A_30 = arith.maximumf %max3A_27, %squeeze3A_29 : vector<128x256xf32>
    %slice3A_31 = vector.extract_strided_slice %reshape3A_21 {offsets = [0, 4, 0], sizes = [128, 1, 256], strides = [1, 1, 1]} : vector<128x16x256xf32> to vector<128x1x256xf32>
    %squeeze3A_32 = vector.shape_cast %slice3A_31 : vector<128x1x256xf32> to vector<128x256xf32>
    %max3A_33 = arith.maximumf %max3A_30, %squeeze3A_32 : vector<128x256xf32>
    %slice3A_34 = vector.extract_strided_slice %reshape3A_21 {offsets = [0, 5, 0], sizes = [128, 1, 256], strides = [1, 1, 1]} : vector<128x16x256xf32> to vector<128x1x256xf32>
    %squeeze3A_35 = vector.shape_cast %slice3A_34 : vector<128x1x256xf32> to vector<128x256xf32>
    %max3A_36 = arith.maximumf %max3A_33, %squeeze3A_35 : vector<128x256xf32>
    %slice3A_37 = vector.extract_strided_slice %reshape3A_21 {offsets = [0, 6, 0], sizes = [128, 1, 256], strides = [1, 1, 1]} : vector<128x16x256xf32> to vector<128x1x256xf32>
    %squeeze3A_38 = vector.shape_cast %slice3A_37 : vector<128x1x256xf32> to vector<128x256xf32>
    %max3A_39 = arith.maximumf %max3A_36, %squeeze3A_38 : vector<128x256xf32>
    %slice3A_40 = vector.extract_strided_slice %reshape3A_21 {offsets = [0, 7, 0], sizes = [128, 1, 256], strides = [1, 1, 1]} : vector<128x16x256xf32> to vector<128x1x256xf32>
    %squeeze3A_41 = vector.shape_cast %slice3A_40 : vector<128x1x256xf32> to vector<128x256xf32>
    %max3A_42 = arith.maximumf %max3A_39, %squeeze3A_41 : vector<128x256xf32>
    %slice3A_43 = vector.extract_strided_slice %reshape3A_21 {offsets = [0, 8, 0], sizes = [128, 1, 256], strides = [1, 1, 1]} : vector<128x16x256xf32> to vector<128x1x256xf32>
    %squeeze3A_44 = vector.shape_cast %slice3A_43 : vector<128x1x256xf32> to vector<128x256xf32>
    %max3A_45 = arith.maximumf %max3A_42, %squeeze3A_44 : vector<128x256xf32>
    %slice3A_46 = vector.extract_strided_slice %reshape3A_21 {offsets = [0, 9, 0], sizes = [128, 1, 256], strides = [1, 1, 1]} : vector<128x16x256xf32> to vector<128x1x256xf32>
    %squeeze3A_47 = vector.shape_cast %slice3A_46 : vector<128x1x256xf32> to vector<128x256xf32>
    %max3A_48 = arith.maximumf %max3A_45, %squeeze3A_47 : vector<128x256xf32>
    %slice3A_49 = vector.extract_strided_slice %reshape3A_21 {offsets = [0, 10, 0], sizes = [128, 1, 256], strides = [1, 1, 1]} : vector<128x16x256xf32> to vector<128x1x256xf32>
    %squeeze3A_50 = vector.shape_cast %slice3A_49 : vector<128x1x256xf32> to vector<128x256xf32>
    %max3A_51 = arith.maximumf %max3A_48, %squeeze3A_50 : vector<128x256xf32>
    %slice3A_52 = vector.extract_strided_slice %reshape3A_21 {offsets = [0, 11, 0], sizes = [128, 1, 256], strides = [1, 1, 1]} : vector<128x16x256xf32> to vector<128x1x256xf32>
    %squeeze3A_53 = vector.shape_cast %slice3A_52 : vector<128x1x256xf32> to vector<128x256xf32>
    %max3A_54 = arith.maximumf %max3A_51, %squeeze3A_53 : vector<128x256xf32>
    %slice3A_55 = vector.extract_strided_slice %reshape3A_21 {offsets = [0, 12, 0], sizes = [128, 1, 256], strides = [1, 1, 1]} : vector<128x16x256xf32> to vector<128x1x256xf32>
    %squeeze3A_56 = vector.shape_cast %slice3A_55 : vector<128x1x256xf32> to vector<128x256xf32>
    %max3A_57 = arith.maximumf %max3A_54, %squeeze3A_56 : vector<128x256xf32>
    %slice3A_58 = vector.extract_strided_slice %reshape3A_21 {offsets = [0, 13, 0], sizes = [128, 1, 256], strides = [1, 1, 1]} : vector<128x16x256xf32> to vector<128x1x256xf32>
    %squeeze3A_59 = vector.shape_cast %slice3A_58 : vector<128x1x256xf32> to vector<128x256xf32>
    %max3A_60 = arith.maximumf %max3A_57, %squeeze3A_59 : vector<128x256xf32>
    %slice3A_61 = vector.extract_strided_slice %reshape3A_21 {offsets = [0, 14, 0], sizes = [128, 1, 256], strides = [1, 1, 1]} : vector<128x16x256xf32> to vector<128x1x256xf32>
    %squeeze3A_62 = vector.shape_cast %slice3A_61 : vector<128x1x256xf32> to vector<128x256xf32>
    %max3A_63 = arith.maximumf %max3A_60, %squeeze3A_62 : vector<128x256xf32>
    %slice3A_64 = vector.extract_strided_slice %reshape3A_21 {offsets = [0, 15, 0], sizes = [128, 1, 256], strides = [1, 1, 1]} : vector<128x16x256xf32> to vector<128x1x256xf32>
    %squeeze3A_65 = vector.shape_cast %slice3A_64 : vector<128x1x256xf32> to vector<128x256xf32>
    %max3A_66 = arith.maximumf %max3A_63, %squeeze3A_65 : vector<128x256xf32>
    %get3A_67 = arith.constant 0 : index
    %get3A_68 = arith.constant 0 : index
    %get3A_69 = vector.load %arg2[%get3A_67, %get3A_68] : memref<4096x128xf32, #tpu.memory_space<vmem>>, vector<4096x128xf32>
    %reshape3A_70 = vector.shape_cast %get3A_69 : vector<4096x128xf32> to vector<128x32x128xf32>
    %get3A_71 = arith.constant 0 : index
    %get3A_72 = arith.constant 0 : index
    %get3A_73 = vector.load %arg4[%get3A_71, %get3A_72] : memref<128x128xf32, #tpu.memory_space<vmem>>, vector<128x128xf32>
    %broadcast_in_dim3A_74 = vector.shape_cast %get3A_73 : vector<128x128xf32> to vector<128x1x128xf32>
    %add3A_75 = vector.broadcast %broadcast_in_dim3A_74 : vector<128x1x128xf32> to vector<128x32x128xf32>
    %add3A_76 = arith.addf %reshape3A_70, %add3A_75 : vector<128x32x128xf32>
    %max3A_77 = arith.constant 0.000000e+00 : f32
    %max3A_78 = vector.broadcast %max3A_77 : f32 to vector<128x32x128xf32>
    %max3A_79 = arith.maximumf %add3A_76, %max3A_78 : vector<128x32x128xf32>
    %reshape3A_80 = vector.shape_cast %max3A_79 : vector<128x32x128xf32> to vector<4096x128xf32>
    %get3A_81 = arith.constant 0 : index
    %get3A_82 = arith.constant 0 : index
    %get3A_83 = vector.load %arg7[%get3A_81, %get3A_82] : memref<128x256xf32, #tpu.memory_space<vmem>>, vector<128x256xf32>
    %dot_general3A_84 = arith.constant dense<0.000000e+00> : vector<4096x256xf32>
    %dot_general3A_85 = tpu.matmul %reshape3A_80, %get3A_83, %dot_general3A_84 {dimension_numbers = #tpu.dot_dimension_numbers<[1], [0], [0], [1], [0, 0, 1, 1], [], []>, transpose_lhs_hint = false} : vector<4096x128xf32>, vector<128x256xf32>, vector<4096x256xf32> -> vector<4096x256xf32>
    %get3A_86 = arith.constant 0 : index
    %get3A_87 = arith.constant 0 : index
    %get3A_88 = vector.load %arg8[%get3A_86, %get3A_87] : memref<1x256xf32, #tpu.memory_space<vmem>>, vector<1x256xf32>
    %add3A_89 = vector.broadcast %get3A_88 : vector<1x256xf32> to vector<4096x256xf32>
    %add3A_90 = arith.addf %dot_general3A_85, %add3A_89 : vector<4096x256xf32>
    %max3A_91 = arith.constant 0.000000e+00 : f32
    %max3A_92 = vector.broadcast %max3A_91 : f32 to vector<4096x256xf32>
    %max3A_93 = arith.maximumf %add3A_90, %max3A_92 : vector<4096x256xf32>
    %reshape3A_94 = vector.shape_cast %max3A_93 : vector<4096x256xf32> to vector<128x32x256xf32>
    %slice3A_95 = vector.extract_strided_slice %reshape3A_94 {offsets = [0, 0, 0], sizes = [128, 1, 256], strides = [1, 1, 1]} : vector<128x32x256xf32> to vector<128x1x256xf32>
    %squeeze3A_96 = vector.shape_cast %slice3A_95 : vector<128x1x256xf32> to vector<128x256xf32>
    %slice3A_97 = vector.extract_strided_slice %reshape3A_94 {offsets = [0, 1, 0], sizes = [128, 1, 256], strides = [1, 1, 1]} : vector<128x32x256xf32> to vector<128x1x256xf32>
    %squeeze3A_98 = vector.shape_cast %slice3A_97 : vector<128x1x256xf32> to vector<128x256xf32>
    %max3A_99 = arith.maximumf %squeeze3A_96, %squeeze3A_98 : vector<128x256xf32>
    %slice3A_100 = vector.extract_strided_slice %reshape3A_94 {offsets = [0, 2, 0], sizes = [128, 1, 256], strides = [1, 1, 1]} : vector<128x32x256xf32> to vector<128x1x256xf32>
    %squeeze3A_101 = vector.shape_cast %slice3A_100 : vector<128x1x256xf32> to vector<128x256xf32>
    %max3A_102 = arith.maximumf %max3A_99, %squeeze3A_101 : vector<128x256xf32>
    %slice3A_103 = vector.extract_strided_slice %reshape3A_94 {offsets = [0, 3, 0], sizes = [128, 1, 256], strides = [1, 1, 1]} : vector<128x32x256xf32> to vector<128x1x256xf32>
    %squeeze3A_104 = vector.shape_cast %slice3A_103 : vector<128x1x256xf32> to vector<128x256xf32>
    %max3A_105 = arith.maximumf %max3A_102, %squeeze3A_104 : vector<128x256xf32>
    %slice3A_106 = vector.extract_strided_slice %reshape3A_94 {offsets = [0, 4, 0], sizes = [128, 1, 256], strides = [1, 1, 1]} : vector<128x32x256xf32> to vector<128x1x256xf32>
    %squeeze3A_107 = vector.shape_cast %slice3A_106 : vector<128x1x256xf32> to vector<128x256xf32>
    %max3A_108 = arith.maximumf %max3A_105, %squeeze3A_107 : vector<128x256xf32>
    %slice3A_109 = vector.extract_strided_slice %reshape3A_94 {offsets = [0, 5, 0], sizes = [128, 1, 256], strides = [1, 1, 1]} : vector<128x32x256xf32> to vector<128x1x256xf32>
    %squeeze3A_110 = vector.shape_cast %slice3A_109 : vector<128x1x256xf32> to vector<128x256xf32>
    %max3A_111 = arith.maximumf %max3A_108, %squeeze3A_110 : vector<128x256xf32>
    %slice3A_112 = vector.extract_strided_slice %reshape3A_94 {offsets = [0, 6, 0], sizes = [128, 1, 256], strides = [1, 1, 1]} : vector<128x32x256xf32> to vector<128x1x256xf32>
    %squeeze3A_113 = vector.shape_cast %slice3A_112 : vector<128x1x256xf32> to vector<128x256xf32>
    %max3A_114 = arith.maximumf %max3A_111, %squeeze3A_113 : vector<128x256xf32>
    %slice3A_115 = vector.extract_strided_slice %reshape3A_94 {offsets = [0, 7, 0], sizes = [128, 1, 256], strides = [1, 1, 1]} : vector<128x32x256xf32> to vector<128x1x256xf32>
    %squeeze3A_116 = vector.shape_cast %slice3A_115 : vector<128x1x256xf32> to vector<128x256xf32>
    %max3A_117 = arith.maximumf %max3A_114, %squeeze3A_116 : vector<128x256xf32>
    %slice3A_118 = vector.extract_strided_slice %reshape3A_94 {offsets = [0, 8, 0], sizes = [128, 1, 256], strides = [1, 1, 1]} : vector<128x32x256xf32> to vector<128x1x256xf32>
    %squeeze3A_119 = vector.shape_cast %slice3A_118 : vector<128x1x256xf32> to vector<128x256xf32>
    %max3A_120 = arith.maximumf %max3A_117, %squeeze3A_119 : vector<128x256xf32>
    %slice3A_121 = vector.extract_strided_slice %reshape3A_94 {offsets = [0, 9, 0], sizes = [128, 1, 256], strides = [1, 1, 1]} : vector<128x32x256xf32> to vector<128x1x256xf32>
    %squeeze3A_122 = vector.shape_cast %slice3A_121 : vector<128x1x256xf32> to vector<128x256xf32>
    %max3A_123 = arith.maximumf %max3A_120, %squeeze3A_122 : vector<128x256xf32>
    %slice3A_124 = vector.extract_strided_slice %reshape3A_94 {offsets = [0, 10, 0], sizes = [128, 1, 256], strides = [1, 1, 1]} : vector<128x32x256xf32> to vector<128x1x256xf32>
    %squeeze3A_125 = vector.shape_cast %slice3A_124 : vector<128x1x256xf32> to vector<128x256xf32>
    %max3A_126 = arith.maximumf %max3A_123, %squeeze3A_125 : vector<128x256xf32>
    %slice3A_127 = vector.extract_strided_slice %reshape3A_94 {offsets = [0, 11, 0], sizes = [128, 1, 256], strides = [1, 1, 1]} : vector<128x32x256xf32> to vector<128x1x256xf32>
    %squeeze3A_128 = vector.shape_cast %slice3A_127 : vector<128x1x256xf32> to vector<128x256xf32>
    %max3A_129 = arith.maximumf %max3A_126, %squeeze3A_128 : vector<128x256xf32>
    %slice3A_130 = vector.extract_strided_slice %reshape3A_94 {offsets = [0, 12, 0], sizes = [128, 1, 256], strides = [1, 1, 1]} : vector<128x32x256xf32> to vector<128x1x256xf32>
    %squeeze3A_131 = vector.shape_cast %slice3A_130 : vector<128x1x256xf32> to vector<128x256xf32>
    %max3A_132 = arith.maximumf %max3A_129, %squeeze3A_131 : vector<128x256xf32>
    %slice3A_133 = vector.extract_strided_slice %reshape3A_94 {offsets = [0, 13, 0], sizes = [128, 1, 256], strides = [1, 1, 1]} : vector<128x32x256xf32> to vector<128x1x256xf32>
    %squeeze3A_134 = vector.shape_cast %slice3A_133 : vector<128x1x256xf32> to vector<128x256xf32>
    %max3A_135 = arith.maximumf %max3A_132, %squeeze3A_134 : vector<128x256xf32>
    %slice3A_136 = vector.extract_strided_slice %reshape3A_94 {offsets = [0, 14, 0], sizes = [128, 1, 256], strides = [1, 1, 1]} : vector<128x32x256xf32> to vector<128x1x256xf32>
    %squeeze3A_137 = vector.shape_cast %slice3A_136 : vector<128x1x256xf32> to vector<128x256xf32>
    %max3A_138 = arith.maximumf %max3A_135, %squeeze3A_137 : vector<128x256xf32>
    %slice3A_139 = vector.extract_strided_slice %reshape3A_94 {offsets = [0, 15, 0], sizes = [128, 1, 256], strides = [1, 1, 1]} : vector<128x32x256xf32> to vector<128x1x256xf32>
    %squeeze3A_140 = vector.shape_cast %slice3A_139 : vector<128x1x256xf32> to vector<128x256xf32>
    %max3A_141 = arith.maximumf %max3A_138, %squeeze3A_140 : vector<128x256xf32>
    %slice3A_142 = vector.extract_strided_slice %reshape3A_94 {offsets = [0, 16, 0], sizes = [128, 1, 256], strides = [1, 1, 1]} : vector<128x32x256xf32> to vector<128x1x256xf32>
    %squeeze3A_143 = vector.shape_cast %slice3A_142 : vector<128x1x256xf32> to vector<128x256xf32>
    %max3A_144 = arith.maximumf %max3A_141, %squeeze3A_143 : vector<128x256xf32>
    %slice3A_145 = vector.extract_strided_slice %reshape3A_94 {offsets = [0, 17, 0], sizes = [128, 1, 256], strides = [1, 1, 1]} : vector<128x32x256xf32> to vector<128x1x256xf32>
    %squeeze3A_146 = vector.shape_cast %slice3A_145 : vector<128x1x256xf32> to vector<128x256xf32>
    %max3A_147 = arith.maximumf %max3A_144, %squeeze3A_146 : vector<128x256xf32>
    %slice3A_148 = vector.extract_strided_slice %reshape3A_94 {offsets = [0, 18, 0], sizes = [128, 1, 256], strides = [1, 1, 1]} : vector<128x32x256xf32> to vector<128x1x256xf32>
    %squeeze3A_149 = vector.shape_cast %slice3A_148 : vector<128x1x256xf32> to vector<128x256xf32>
    %max3A_150 = arith.maximumf %max3A_147, %squeeze3A_149 : vector<128x256xf32>
    %slice3A_151 = vector.extract_strided_slice %reshape3A_94 {offsets = [0, 19, 0], sizes = [128, 1, 256], strides = [1, 1, 1]} : vector<128x32x256xf32> to vector<128x1x256xf32>
    %squeeze3A_152 = vector.shape_cast %slice3A_151 : vector<128x1x256xf32> to vector<128x256xf32>
    %max3A_153 = arith.maximumf %max3A_150, %squeeze3A_152 : vector<128x256xf32>
    %slice3A_154 = vector.extract_strided_slice %reshape3A_94 {offsets = [0, 20, 0], sizes = [128, 1, 256], strides = [1, 1, 1]} : vector<128x32x256xf32> to vector<128x1x256xf32>
    %squeeze3A_155 = vector.shape_cast %slice3A_154 : vector<128x1x256xf32> to vector<128x256xf32>
    %max3A_156 = arith.maximumf %max3A_153, %squeeze3A_155 : vector<128x256xf32>
    %slice3A_157 = vector.extract_strided_slice %reshape3A_94 {offsets = [0, 21, 0], sizes = [128, 1, 256], strides = [1, 1, 1]} : vector<128x32x256xf32> to vector<128x1x256xf32>
    %squeeze3A_158 = vector.shape_cast %slice3A_157 : vector<128x1x256xf32> to vector<128x256xf32>
    %max3A_159 = arith.maximumf %max3A_156, %squeeze3A_158 : vector<128x256xf32>
    %slice3A_160 = vector.extract_strided_slice %reshape3A_94 {offsets = [0, 22, 0], sizes = [128, 1, 256], strides = [1, 1, 1]} : vector<128x32x256xf32> to vector<128x1x256xf32>
    %squeeze3A_161 = vector.shape_cast %slice3A_160 : vector<128x1x256xf32> to vector<128x256xf32>
    %max3A_162 = arith.maximumf %max3A_159, %squeeze3A_161 : vector<128x256xf32>
    %slice3A_163 = vector.extract_strided_slice %reshape3A_94 {offsets = [0, 23, 0], sizes = [128, 1, 256], strides = [1, 1, 1]} : vector<128x32x256xf32> to vector<128x1x256xf32>
    %squeeze3A_164 = vector.shape_cast %slice3A_163 : vector<128x1x256xf32> to vector<128x256xf32>
    %max3A_165 = arith.maximumf %max3A_162, %squeeze3A_164 : vector<128x256xf32>
    %slice3A_166 = vector.extract_strided_slice %reshape3A_94 {offsets = [0, 24, 0], sizes = [128, 1, 256], strides = [1, 1, 1]} : vector<128x32x256xf32> to vector<128x1x256xf32>
    %squeeze3A_167 = vector.shape_cast %slice3A_166 : vector<128x1x256xf32> to vector<128x256xf32>
    %max3A_168 = arith.maximumf %max3A_165, %squeeze3A_167 : vector<128x256xf32>
    %slice3A_169 = vector.extract_strided_slice %reshape3A_94 {offsets = [0, 25, 0], sizes = [128, 1, 256], strides = [1, 1, 1]} : vector<128x32x256xf32> to vector<128x1x256xf32>
    %squeeze3A_170 = vector.shape_cast %slice3A_169 : vector<128x1x256xf32> to vector<128x256xf32>
    %max3A_171 = arith.maximumf %max3A_168, %squeeze3A_170 : vector<128x256xf32>
    %slice3A_172 = vector.extract_strided_slice %reshape3A_94 {offsets = [0, 26, 0], sizes = [128, 1, 256], strides = [1, 1, 1]} : vector<128x32x256xf32> to vector<128x1x256xf32>
    %squeeze3A_173 = vector.shape_cast %slice3A_172 : vector<128x1x256xf32> to vector<128x256xf32>
    %max3A_174 = arith.maximumf %max3A_171, %squeeze3A_173 : vector<128x256xf32>
    %slice3A_175 = vector.extract_strided_slice %reshape3A_94 {offsets = [0, 27, 0], sizes = [128, 1, 256], strides = [1, 1, 1]} : vector<128x32x256xf32> to vector<128x1x256xf32>
    %squeeze3A_176 = vector.shape_cast %slice3A_175 : vector<128x1x256xf32> to vector<128x256xf32>
    %max3A_177 = arith.maximumf %max3A_174, %squeeze3A_176 : vector<128x256xf32>
    %slice3A_178 = vector.extract_strided_slice %reshape3A_94 {offsets = [0, 28, 0], sizes = [128, 1, 256], strides = [1, 1, 1]} : vector<128x32x256xf32> to vector<128x1x256xf32>
    %squeeze3A_179 = vector.shape_cast %slice3A_178 : vector<128x1x256xf32> to vector<128x256xf32>
    %max3A_180 = arith.maximumf %max3A_177, %squeeze3A_179 : vector<128x256xf32>
    %slice3A_181 = vector.extract_strided_slice %reshape3A_94 {offsets = [0, 29, 0], sizes = [128, 1, 256], strides = [1, 1, 1]} : vector<128x32x256xf32> to vector<128x1x256xf32>
    %squeeze3A_182 = vector.shape_cast %slice3A_181 : vector<128x1x256xf32> to vector<128x256xf32>
    %max3A_183 = arith.maximumf %max3A_180, %squeeze3A_182 : vector<128x256xf32>
    %slice3A_184 = vector.extract_strided_slice %reshape3A_94 {offsets = [0, 30, 0], sizes = [128, 1, 256], strides = [1, 1, 1]} : vector<128x32x256xf32> to vector<128x1x256xf32>
    %squeeze3A_185 = vector.shape_cast %slice3A_184 : vector<128x1x256xf32> to vector<128x256xf32>
    %max3A_186 = arith.maximumf %max3A_183, %squeeze3A_185 : vector<128x256xf32>
    %slice3A_187 = vector.extract_strided_slice %reshape3A_94 {offsets = [0, 31, 0], sizes = [128, 1, 256], strides = [1, 1, 1]} : vector<128x32x256xf32> to vector<128x1x256xf32>
    %squeeze3A_188 = vector.shape_cast %slice3A_187 : vector<128x1x256xf32> to vector<128x256xf32>
    %max3A_189 = arith.maximumf %max3A_186, %squeeze3A_188 : vector<128x256xf32>
    %concatenate3A = tpu.concatenate %max3A_66, %max3A_189 in 1 : vector<128x256xf32>, vector<128x256xf32> -> vector<128x512xf32>
    %get3A_190 = arith.constant 0 : index
    %get3A_191 = arith.constant 0 : index
    %get3A_192 = vector.load %arg9[%get3A_190, %get3A_191] : memref<512x512xf32, #tpu.memory_space<vmem>>, vector<512x512xf32>
    %dot_general3A_193 = arith.constant dense<0.000000e+00> : vector<128x512xf32>
    %dot_general3A_194 = tpu.matmul %concatenate3A, %get3A_192, %dot_general3A_193 {dimension_numbers = #tpu.dot_dimension_numbers<[1], [0], [0], [1], [0, 0, 1, 1], [], []>, transpose_lhs_hint = false} : vector<128x512xf32>, vector<512x512xf32>, vector<128x512xf32> -> vector<128x512xf32>
    %get3A_195 = arith.constant 0 : index
    %get3A_196 = arith.constant 0 : index
    %get3A_197 = vector.load %arg10[%get3A_195, %get3A_196] : memref<1x512xf32, #tpu.memory_space<vmem>>, vector<1x512xf32>
    %add3A_198 = vector.broadcast %get3A_197 : vector<1x512xf32> to vector<128x512xf32>
    %add3A_199 = arith.addf %dot_general3A_194, %add3A_198 : vector<128x512xf32>
    %max3A_200 = arith.constant 0.000000e+00 : f32
    %max3A_201 = vector.broadcast %max3A_200 : f32 to vector<128x512xf32>
    %max3A_202 = arith.maximumf %add3A_199, %max3A_201 : vector<128x512xf32>
    %swap3A = arith.constant 0 : index
    %swap3A_203 = arith.constant 0 : index
    %swap3A_204 = vector.load %arg11[%swap3A, %swap3A_203] : memref<128x512xf32, #tpu.memory_space<vmem>>, vector<128x512xf32>
    tpu.vector_store %arg11[%swap3A, %swap3A_203], %max3A_202 {strides = array<i32>} : memref<128x512xf32, #tpu.memory_space<vmem>>, vector<128x512xf32>,
    return
  }
  func.func @transform_0(%arg0: i32) -> (i32, i32) {
    %c0_i32 = arith.constant 0 : i32
    %c0_i32_0 = arith.constant 0 : i32
    return %arg0, %c0_i32 : i32, i32
  }
  func.func @transform_1(%arg0: i32) -> (i32, i32) {
    %c0_i32 = arith.constant 0 : i32
    %c0_i32_0 = arith.constant 0 : i32
    return %arg0, %c0_i32 : i32, i32
  }
  func.func @transform_2(%arg0: i32) -> (i32, i32) {
    %c0_i32 = arith.constant 0 : i32
    %c0_i32_0 = arith.constant 0 : i32
    return %arg0, %c0_i32 : i32, i32
  }
  func.func @transform_3(%arg0: i32) -> (i32, i32) {
    %c0_i32 = arith.constant 0 : i32
    %c0_i32_0 = arith.constant 0 : i32
    return %arg0, %c0_i32 : i32, i32
  }
  func.func @transform_4(%arg0: i32) -> (i32, i32) {
    %c0_i32 = arith.constant 0 : i32
    %c0_i32_0 = arith.constant 0 : i32
    %c0_i32_1 = arith.constant 0 : i32
    return %c0_i32, %c0_i32_0 : i32, i32
  }
  func.func @transform_5(%arg0: i32) -> (i32, i32) {
    %c0_i32 = arith.constant 0 : i32
    %c0_i32_0 = arith.constant 0 : i32
    %c0_i32_1 = arith.constant 0 : i32
    return %c0_i32, %c0_i32_0 : i32, i32
  }
  func.func @transform_6(%arg0: i32) -> (i32, i32) {
    %c0_i32 = arith.constant 0 : i32
    %c0_i32_0 = arith.constant 0 : i32
    %c0_i32_1 = arith.constant 0 : i32
    return %c0_i32, %c0_i32_0 : i32, i32
  }
  func.func @transform_7(%arg0: i32) -> (i32, i32) {
    %c0_i32 = arith.constant 0 : i32
    %c0_i32_0 = arith.constant 0 : i32
    %c0_i32_1 = arith.constant 0 : i32
    return %c0_i32, %c0_i32_0 : i32, i32
  }
  func.func @transform_8(%arg0: i32) -> (i32, i32) {
    %c0_i32 = arith.constant 0 : i32
    %c0_i32_0 = arith.constant 0 : i32
    %c0_i32_1 = arith.constant 0 : i32
    return %c0_i32, %c0_i32_0 : i32, i32
  }
  func.func @transform_9(%arg0: i32) -> (i32, i32) {
    %c0_i32 = arith.constant 0 : i32
    %c0_i32_0 = arith.constant 0 : i32
    %c0_i32_1 = arith.constant 0 : i32
    return %c0_i32, %c0_i32_0 : i32, i32
  }
  func.func @transform_10(%arg0: i32) -> (i32, i32) {
    %c0_i32 = arith.constant 0 : i32
    %c0_i32_0 = arith.constant 0 : i32
    return %arg0, %c0_i32 : i32, i32
  }
}

</mosaic_0001>

<sc_bundles>
// kernel: kernel.10.cloned.1.call-start
scs
__scs_entry_jumppad:
0x0: {  	(pc) =	sbr.rel $0x88, $3  }
0x1: {  	(tag) =	ssettag $0x0;
	lr =	simm.s32 $0x1  }
0x2: {  	[smem:$0x3F89] =	sst lr;
	_ =	strace $0xD0000000  }
0x3: {  	_ = 	snop  }
0x4: {  	_ = 	snop  }
0x5: {  	_ = 	snop  }
0x6: {  	_ = 	snop  }
0x7: {  	_ = 	snop  }
__scs_overlays_trampoline_lowered:
0x8: {  	[smem:$0x3F98] =	sst s0  }
0x9: {  	[smem:$0x3F99] =	sst s1  }
0xa: {  	[smem:$0x3F9A] =	sst s2  }
0xb: {  	[smem:$0x3F9B] =	sst s3  }
0xc: {  	[smem:$0x3F9C] =	sst s4  }
0xd: {  	[smem:$0x3F9D] =	sst s5  }
0xe: {  	[smem:$0x3F9E] =	sst s6  }
0xf: {  	[smem:$0x3F9F] =	sst s7  }
0x10: {  	[smem:$0x3FA0] =	sst s8  }
0x11: {  	[smem:$0x3FA1] =	sst s9;
	s0 =	simm.s32 @!p0 $0x0  }
0x12: {  	s1 =	sld [smem:$0x3F87];
	s0 =	simm.s32 @p0 $0x1  }
0x13: {  	[smem:$0x3FA2] =	sst s0;
	s0 =	simm.s32 @!p1 $0x0  }
0x14: {  	s2 =	sld [smem:$0x3F86];
	s0 =	simm.s32 @p1 $0x1  }
0x15: {  	[smem:$0x3FA3] =	sst s0;
	s0 =	simm.s32 @!p2 $0x0  }
0x16: {  	s3 =	sld [smem:$0x3FDB];
	s0 =	simm.s32 @p2 $0x1  }
0x17: {  	s4 =	simm.s32 $0x1BF5;
	[smem:$0x3FA5] =	sst s0  }
0x18: {  	s0 =	sld [smem:$0x3F88];
	_ =	swait.ge [sflag:s4], $0x0  }
0x19: {  	s7 =	sld [smem:$0x3F89]  }
0x1a: {  	s8 =	sadd.s32 $0xFFFFE003, lr  }
0x1b: {  	s9 =	sadd.s32 $0xFFFFFEF7, lr;
	s5 =	simm.s32 $0xFFFFFFFF;
	p2 =	slt.u32 s8, $0xFFFFF086  }
0x1c: {  	p1 =	slt.u32 s9, $0xF7A;
	s5 =	simm.s32 @!p2 $0x0  }
0x1d: {  	s5 =	simm.s32 @p1 $0x1;
	p0 =	seq.s32 s7, s2  }
0x1e: {  	s7 =	smul.u32 @!p0 $0xF7A, s2;
	p2 =	seq.s32 @!p0 s5, $0x0  }
0x1f: {  	s9 =	smul.u32 $0xF7A, s1;
	s8 =	simm.s32 @!p0 $0x1BF5;
	p2 =	por !p2, p0  }
0x20: {  	[sflag:s8] =	ssyncset.s32 @!p0 $0xFFFFF086;
	s6 =	sadd.s32 @!p0 s3, s7;
	s7 =	simm.s32 @!p0 $0x108  }
0x21: {  	s3 =	sadd.s32 s3, s9;
	s6 =	sadd.s32 @!p0 $0x88, s6;
	s7 =	simm.s32 @p2 $0x1082  }
0x22: {  	[simem:s7], [sflag:s8] =	dma.local @!p0 [hbm:s6], $0xF7A  }
0x23: {  	s9 =	sor.u32 $0xD0000000, s2;
	s6 =	simm.s32 $0x108;
	_ =	swait.ge @!p0 [sflag:s8], $0x0  }
0x24: {  	s3 =	sadd.s32 $0x88, s3;
	s6 =	simm.s32 @!p1 $0x1082;
	[sflag:s4] =	ssyncset.s32 $0xFFFFF086  }
0x25: {  	[simem:s6], [sflag:s4] =	dma.local [hbm:s3], $0xF7A  }
0x26: {  	[smem:$0x3F89] =	sst s1;
	(tag) =	ssettag s2;
	_ =	strace s9  }
0x27: {  	s1 =	sld [smem:$0x3F99]  }
0x28: {  	s2 =	sld [smem:$0x3F9A]  }
0x29: {  	s4 =	sld [smem:$0x3F9C]  }
0x2a: {  	p0 =	seq.s32 s5, $0x0;
	s5 =	sld [smem:$0x3F9D]  }
0x2b: {  	s6 =	sld [smem:$0x3F9E]  }
0x2c: {  	s7 =	sld [smem:$0x3F9F]  }
0x2d: {  	s3 =	simm.s32 $0x108;
	s8 =	sld [smem:$0x3FA0]  }
0x2e: {  	s3 =	simm.s32 @!p0 $0x1082;
	s9 =	sld [smem:$0x3FA1]  }
0x2f: {  	lr =	sadd.s32 s0, s3;
	s0 =	sld [smem:$0x3F98]  }
0x30: {  	s3 =	sld [smem:$0x3F9B]  }
0x31: {  	[smem:$0x3FA4] =	sst s10  }
0x32: {  	s10 =	sld [smem:$0x3FA2];
	_ =	sdelay $0x3  }
0x33: {  	p0 =	seq.s32 s10, $0x1;
	s10 =	sld [smem:$0x3FA4];
	_ =	sdelay $0x3  }
0x34: {  	[smem:$0x3FA4] =	sst s10  }
0x35: {  	s10 =	sld [smem:$0x3FA3];
	_ =	sdelay $0x3  }
0x36: {  	p1 =	seq.s32 s10, $0x1;
	s10 =	sld [smem:$0x3FA4];
	_ =	sdelay $0x3  }
0x37: {  	[smem:$0x3FA4] =	sst s10  }
0x38: {  	s10 =	sld [smem:$0x3FA5]  }
0x39: {  	_ = 	snop;
	(pc) =	sbr.ind lr, $3  }
0x3a: {  	_ = 	snop  }
0x3b: {  	_ = 	snop  }
0x3c: {  	p2 =	seq.s32 s10, $0x1;
	s10 =	sld [smem:$0x3FA4]  }
0x3d: {  	_ =	shalt  }
0x3e: {  	_ =	shalt  }
0x3f: {  	_ =	shalt  }
0x40: {  	_ =	shalt  }
0x41: {  	_ =	shalt  }
0x42: {  	_ =	shalt  }
0x43: {  	_ =	shalt  }
0x44: {  	_ =	shalt  }
0x45: {  	_ =	shalt  }
0x46: {  	_ =	shalt  }
0x47: {  	_ =	shalt  }
0x48: {  	_ =	shalt  }
0x49: {  	_ =	shalt  }
0x4a: {  	_ =	shalt  }
0x4b: {  	_ =	shalt  }
0x4c: {  	_ =	shalt  }
0x4d: {  	_ =	shalt  }
0x4e: {  	_ =	shalt  }
0x4f: {  	_ =	shalt  }
0x50: {  	_ =	shalt  }
0x51: {  	_ =	shalt  }
0x52: {  	_ =	shalt  }
0x53: {  	_ =	shalt  }
0x54: {  	_ =	shalt  }
0x55: {  	_ =	shalt  }
0x56: {  	_ =	shalt  }
0x57: {  	_ =	shalt  }
0x58: {  	_ =	shalt  }
0x59: {  	_ =	shalt  }
0x5a: {  	_ =	shalt  }
0x5b: {  	_ =	shalt  }
0x5c: {  	_ =	shalt  }
0x5d: {  	_ =	shalt  }
0x5e: {  	_ =	shalt  }
0x5f: {  	_ =	shalt  }
0x60: {  	_ =	shalt  }
0x61: {  	_ =	shalt  }
0x62: {  	_ =	shalt  }
0x63: {  	_ =	shalt  }
0x64: {  	_ =	shalt  }
0x65: {  	_ =	shalt  }
0x66: {  	_ =	shalt  }
0x67: {  	_ =	shalt  }
0x68: {  	_ =	shalt  }
0x69: {  	_ =	shalt  }
0x6a: {  	_ =	shalt  }
0x6b: {  	_ =	shalt  }
0x6c: {  	_ =	shalt  }
0x6d: {  	_ =	shalt  }
0x6e: {  	_ =	shalt  }
0x6f: {  	_ =	shalt  }
0x70: {  	_ =	shalt  }
0x71: {  	_ =	shalt  }
0x72: {  	_ =	shalt  }
0x73: {  	_ =	shalt  }
0x74: {  	_ =	shalt  }
0x75: {  	_ =	shalt  }
0x76: {  	_ =	shalt  }
0x77: {  	_ =	shalt  }
0x78: {  	_ =	shalt  }
0x79: {  	_ =	shalt  }
0x7a: {  	_ =	shalt  }
0x7b: {  	_ =	shalt  }
0x7c: {  	_ =	shalt  }
0x7d: {  	_ =	shalt  }
0x7e: {  	_ =	shalt  }
0x7f: {  	_ =	shalt  }
0x80: {  	_ =	shalt  }
0x81: {  	_ =	shalt  }
0x82: {  	_ =	shalt  }
0x83: {  	_ =	shalt  }
0x84: {  	_ =	shalt  }
0x85: {  	_ =	shalt  }
0x86: {  	_ =	shalt  }
0x87: {  	_ =	shalt  }
.Lfunc_end0:
.L_simem_size_0:
called_computation_lowered:
.L_overlay_start_0:
0x88: {  	s2 =	sld [smem:$0x3FD9]  }
0x89: {  	s3 =	sld [smem:$0x3FFE];
	_ =	sdelay $0x1  }
0x8a: {  	s1 =	srdreg.scid  }
0x8b: {  	s0 =	sand.u32 $0x1, s1  }
0x8c: {  	s17 =	sshll.u32 s0, $0xA;
	s2 =	sadd.s32 s3, s2  }
0x8d: {  	s2 =	sadd.s32 s2, s17  }
0x8e: {  	[smem:$0x3FB0] =	sst s2  }
0x8f: {  	_ = 	snop  }
0x90: {  	(tm) =	ssettm $0x1  }
0x91: {  	s18 =	sld [smem:$0x3FFB];
	_ =	sdelay $0x3  }
0x92: {  	_ =	strace s18  }
0x93: {  	s2 =	sld [smem:$0x3FFC];
	_ =	sdelay $0x3  }
0x94: {  	_ =	strace s2  }
0x95: {  	s2 =	sld [smem:$0x3FFD];
	_ =	sdelay $0x3  }
0x96: {  	_ =	strace s2  }
0x97: {  	_ =	strace $0x8FFFFFFF  }
0x98: {  	s19 =	sld [smem:$0x3FDB];
	_ =	sdelay $0x1  }
0x99: {  	s20 =	simm.s32 $_scs_section_size  }
0x9a: {  	s4 =	simm.s32 $_size__tile_overlayer_lowered;
	s5 =	simm.s32 $_tile_overlayer_lowered  }
0x9b: {  	s6 =	simm.s32 $0x1BFF;
	s21 =	sshll.u32 s5, $0x1;
	s3 =	sadd.s32 s20, s19  }
0x9c: {  	s22 =	simm.s32 $0x0;
	s4 =	sshll.u32 s4, $0x1;
	s5 =	sadd.s32 s21, s3  }
0x9d: {  	[timem:s22], [sflag:s6] =	dma.local [hbm:s5], s4  }
0x9e: {  	_ =	swait.ge [sflag:s6], s4  }
0x9f: {  	s4 =	ssub.s32 $0x0, s4;
	[sflag:s6] =	ssyncset.done $0x0  }
0xa0: {  	[sflag:s6] =	ssyncadd.s32 s4;
	_ =	sdelay $0x1  }
0xa1: {  	s23 =	simm.s32 $0x1B8B  }
0xa2: {  	_ =	swait.ge [sflag:s23], $0x1  }
0xa3: {  	[sflag:s23] =	ssyncset.done $0x0  }
0xa4: {  	[sflag:s23] =	ssyncadd.s32 $0xFFFFFFFF  }
0xa5: {  	s4 =	sld [smem:$0x0]  }
0xa6: {  	s5 =	sand.u32 $0xFFFFFFFE, s1  }
0xa7: {  	p0 =	sne.s32 s1, s5  }
0xa8: {  	s5 =	sshll.u32 @p0 s5, $0xE  }
0xa9: {  	s5 =	sadd.s32 @p0 $0x11B8D, s5;
	s6 =	sshll.u32 @p0 s4, $0x11  }
0xaa: {  	s5 =	sor.u32 @p0 s6, s5  }
0xab: {  	[sflag:s5] =	ssyncadd.remote.s32 @p0 $0x1;
	_ =	sdelay $0x1  }
0xac: {  	s5 =	simm.s32 @p0 $0x1B8D  }
0xad: {  	_ =	swait.eq @p0 [sflag:s5], $0x1  }
0xae: {  	[sflag:s5] =	ssyncadd.s32 @p0 $0xFFFFFFFF  }
0xaf: {  	s6 =	sshll.u32 @!p0 s1, $0xE  }
0xb0: {  	s6 =	sor.u32 @!p0 $0x4000, s6;
	s5 =	simm.s32 @!p0 $0x1B8D  }
0xb1: {  	s4 =	sshll.u32 @!p0 s4, $0x11;
	s6 =	sadd.s32 @!p0 $0x11B8D, s6;
	_ =	swait.eq @!p0 [sflag:s5], $0x1  }
0xb2: {  	s4 =	sor.u32 @!p0 s4, s6;
	[sflag:s5] =	ssyncadd.s32 @!p0 $0xFFFFFFFF  }
0xb3: {  	s25 =	simm.s32 $0x1B8E;
	s24 =	sld [smem:$0x3FFE];
	[sflag:s4] =	ssyncadd.remote.s32 @!p0 $0x1  }
0xb4: {  	s26 =	simm.s32 $execute0_lowered;
	[smem:$0x3FD2] =	sst s25  }
0xb5: {  	s5 =	sshll.u32 s26, $0x1;
	_ =	strace $0x80000049;
	[dreg:$0x1] =	wrdreg $0xFFFFFFFF  }
0xb6: {  	s28 =	simm.s32 $_size_execute0_lowered;
	s3 =	sadd.s32 s3, s5;
	[dreg:$0x0] =	wrdreg $0x0  }
0xb7: {  	s5 =	sshll.u32 s28, $0x1;
	[dreg:$0x2] =	wrdreg s3  }
0xb8: {  	[dreg:$0x3] =	wrdreg s5  }
0xb9: {  	[dreg:$0x4] =	wrdreg $0xC0  }
0xba: {  	_ =	task [dreg:s22], $0x5FFFF  }
0xbb: {  	[dreg:$0x1] =	wrdreg $0xFFFFFFFF  }
0xbc: {  	[dreg:$0x0] =	wrdreg $0x60  }
0xbd: {  	[dreg:$0x2] =	wrdreg s24  }
0xbe: {  	[dreg:$0x3] =	wrdreg $0x9  }
0xbf: {  	_ =	task.clear_ibuf [dreg:s22], $0x4FFFF;
	_ =	strace $0x90000049  }
0xc0: {  	s29 =	simm.s32 $0x9;
	_ =	strace $0x8000004B  }
0xc1: {  	_ =	swait.ge [sflag:s29], $0x1  }
0xc2: {  	[sflag:s29] =	ssyncadd.s32 $0xFFFFFFFF  }
0xc3: {  	_ =	strace $0x9000004B  }
0xc4: {  	_ =	sfence  }
0xc5: {  	s30 =	sld [smem:$0x0];
	_ =	sdelay $0x2  }
0xc6: {  	s31 =	sshll.u32 s1, $0xD;
	s1 =	sshrl.u32 s1, $0x2  }
0xc7: {  	s4 =	sand.u32 $0x4000, s31;
	s1 =	sadd.s32 s1, s30  }
0xc8: {  	s0 =	sor.u32 s4, s0;
	s1 =	sshll.u32 s1, $0x11  }
0xc9: {  	s0 =	sor.u32 s1, s0  }
0xca: {  	s0 =	sadd.s32 $0x8F2B, s0  }
0xcb: {  	[sflag:s0] =	ssyncadd.remote.s32 $0x1  }
0xcc: {  	_ =	sfence.sel $0xFFFF  }
0xcd: {  	[dreg:$0x0] =	wrdreg $0xFFFFFFFF;
	(pc) =	sbr.abs _section_cstart, $3  }
0xce: {  	[dreg:$0x1] =	wrdreg $0xFFFFFFFF  }
0xcf: {  	_ =	task.clear_ibuf [dreg:s22], $0x2FFFF;
	_ =	strace $0x9FFFFFFF  }
0xd0: {  	(tm) =	ssettm $0x7FFFFFFF  }
0xd1: {  	_ =	shalt  }
tec
execute0_lowered:
.L_overlay_start_1:
0x0: {  	(tag) =	ssettag $0x1  }
0x1: {  	s1 =	srdreg.scid;
	s0 =	stileid.u32  }
0x2: {  	s22 =	sand.u32 $0x1, s1;
	s30 =	sshll.u32 s0, $0x1  }
0x3: {  	s17 =	rddreg [dreg:$0x0];
	s18 =	sor.u32 s22, s30  }
0x4: {  	s2 =	simm.s32 $0x0;
	s1 =	rddreg [dreg:$0x1];
	s3 =	sshll.u32 s18, $0x5  }
0x5: {  	[smem:$0x7FF] =	sst s2;
	s3 =	sadd.s32 s3, s17  }
0x6: {  	_ =	strace $0x8000004A;
	s4 =	sadd.s32 $0x165400, s3;
	s3 =	simm.s32 $0x3  }
0x7: {  	[tilespmem:s2], [sflag:$0x3] =	stream.linear.gather [hbm4b:s4+s2], $0x100, $0x38;
	[tilespmem:$0x8300] =	vst v63  }
0x8: {  	s5 =	sshll.u32 s18, $0x6;
	_ =	swait.ge [sflag:s3], $0x100  }
0x9: {  	s5 =	sadd.s32 s5, s17;
	[sflag:s3] =	ssyncset.done $0x0  }
0xa: {  	s6 =	simm.s32 $0x100;
	s5 =	sadd.s32 $0x165800, s5;
	[sflag:s3] =	ssyncadd.s32 $0xFFFFFF00  }
0xb: {  	[tilespmem:s6], [sflag:$0x3] =	stream.linear.gather [hbm4b:s5+s2], $0x200, $0x38;
	[tilespmem:$0x8300] =	vst v63  }
0xc: {  	_ =	swait.ge [sflag:s3], $0x200  }
0xd: {  	s8 =	simm.s32 $0x80;
	[sflag:s3] =	ssyncset.done $0x0  }
0xe: {  	s9 =	simm.s32 $0x300;
	s7 =	sadd.s32 $0x5000, s17;
	[sflag:s3] =	ssyncadd.s32 $0xFFFFFE00  }
0xf: {  	[tilespmem:s9], [sflag:$0x1] =	stream.indirect.gather [hbm4b:s7+s8], $0x80, s2, s8, $0xb8;
	[tilespmem:$0x8300] =	vst v63  }
0x10: {  	s10 =	simm.s32 $0x4300;
	s11 =	simm.s32 $0x1  }
0x11: {  	[tilespmem:s10], [sflag:$0x2] =	stream.indirect.gather [hbm4b:s7+s8], $0x80, s8, s8, $0xb8;
	[tilespmem:$0x8300] =	vst v63  }
0x12: {  	s12 =	sshll.u32 s18, $0xC;
	_ =	swait.ge [sflag:s11], $0x4000  }
0x13: {  	s15 =	sadd.s32 s12, s17;
	[sflag:s11] =	ssyncset.done $0x0  }
0x14: {  	s12 =	sadd.s32 $0x1A6000, s15;
	[sflag:s11] =	ssyncadd.s32 $0xFFFFC000  }
0x15: {  	[hbm4b:s12+s2] =	stream.linear.scatter [tilespmem:s9], [sflag:$0x3], $0x4000, $0x38;
	[tilespmem:$0x8300] =	vst v63  }
0x16: {  	_ =	swait.ge [sflag:s3], $0x4000  }
0x17: {  	[sflag:s3] =	ssyncset.done $0x0  }
0x18: {  	s14 =	simm.s32 $0x2;
	s13 =	sadd.s32 $0x85400, s17;
	[sflag:s3] =	ssyncadd.s32 $0xFFFFC000  }
0x19: {  	[tilespmem:s9], [sflag:$0x1] =	stream.indirect.gather [hbm4b:s13+s8], $0x80, s6, s8, $0xb8;
	[tilespmem:$0x8300] =	vst v63  }
0x1a: {  	_ =	swait.ge [sflag:s14], $0x4000  }
0x1b: {  	[sflag:s14] =	ssyncset.done $0x0  }
0x1c: {  	s15 =	sadd.s32 $0x1A6800, s15;
	[sflag:s14] =	ssyncadd.s32 $0xFFFFC000  }
0x1d: {  	[hbm4b:s15+s2] =	stream.linear.scatter [tilespmem:s10], [sflag:$0x3], $0x4000, $0x38;
	[tilespmem:$0x8300] =	vst v63  }
0x1e: {  	_ =	swait.ge [sflag:s3], $0x4000  }
0x1f: {  	[sflag:s3] =	ssyncset.done $0x0  }
0x20: {  	s16 =	simm.s32 $0x180;
	[sflag:s3] =	ssyncadd.s32 $0xFFFFC000  }
0x21: {  	[tilespmem:s10], [sflag:$0x2] =	stream.indirect.gather [hbm4b:s13+s8], $0x80, s16, s8, $0xb8;
	[tilespmem:$0x8300] =	vst v63  }
0x22: {  	s18 =	sshll.u32 s18, $0xD;
	_ =	swait.ge [sflag:s11], $0x4000  }
0x23: {  	s23 =	sadd.s32 s18, s17;
	[sflag:s11] =	ssyncset.done $0x0  }
0x24: {  	s17 =	sadd.s32 $0x166000, s23;
	[sflag:s11] =	ssyncadd.s32 $0xFFFFC000  }
0x25: {  	[hbm4b:s17+s2] =	stream.linear.scatter [tilespmem:s9], [sflag:$0x3], $0x4000, $0x38;
	[tilespmem:$0x8300] =	vst v63  }
0x26: {  	_ =	swait.ge [sflag:s3], $0x4000  }
0x27: {  	[sflag:s3] =	ssyncset.done $0x0  }
0x28: {  	s18 =	simm.s32 $0x200;
	[sflag:s3] =	ssyncadd.s32 $0xFFFFC000  }
0x29: {  	[tilespmem:s9], [sflag:$0x1] =	stream.indirect.gather [hbm4b:s13+s8], $0x80, s18, s8, $0xb8;
	[tilespmem:$0x8300] =	vst v63  }
0x2a: {  	_ =	swait.ge [sflag:s14], $0x4000  }
0x2b: {  	[sflag:s14] =	ssyncset.done $0x0  }
0x2c: {  	s19 =	sadd.s32 $0x166800, s23;
	[sflag:s14] =	ssyncadd.s32 $0xFFFFC000  }
0x2d: {  	[hbm4b:s19+s2] =	stream.linear.scatter [tilespmem:s10], [sflag:$0x3], $0x4000, $0x38;
	[tilespmem:$0x8300] =	vst v63  }
0x2e: {  	_ =	swait.ge [sflag:s3], $0x4000  }
0x2f: {  	[sflag:s3] =	ssyncset.done $0x0  }
0x30: {  	s20 =	simm.s32 $0x280;
	[sflag:s3] =	ssyncadd.s32 $0xFFFFC000  }
0x31: {  	[tilespmem:s10], [sflag:$0x2] =	stream.indirect.gather [hbm4b:s13+s8], $0x80, s20, s8, $0xb8;
	[tilespmem:$0x8300] =	vst v63  }
0x32: {  	_ =	swait.ge [sflag:s11], $0x4000  }
0x33: {  	[sflag:s11] =	ssyncset.done $0x0  }
0x34: {  	s22 =	ssub.s32 $0x2, s22;
	s21 =	sadd.s32 $0x167000, s23;
	[sflag:s11] =	ssyncadd.s32 $0xFFFFC000  }
0x35: {  	[hbm4b:s21+s2] =	stream.linear.scatter [tilespmem:s9], [sflag:$0x3], $0x4000, $0x38;
	[tilespmem:$0x8300] =	vst v63  }
0x36: {  	s24 =	sshrl.u32 s22, $0x1;
	_ =	swait.ge [sflag:s3], $0x4000  }
0x37: {  	s24 =	ssub.s32 s22, s24;
	[sflag:s3] =	ssyncset.done $0x0  }
0x38: {  	s31 =	smax.u32 s24, $0x1;
	[sflag:s3] =	ssyncadd.s32 $0xFFFFC000  }
0x39: {  	p0 =	sne.s32 s31, $0x1;
	_ =	swait.ge [sflag:s14], $0x4000  }
.Ltmp0:
0x3a: {  	[sflag:s14] =	ssyncset.done $0x0;
	(pc) =	sbr.rel @!p0 .LBB2_2-.Ltmp0, $4  }
0x3b: {  	s22 =	sadd.s32 $0x167800, s23;
	[sflag:s14] =	ssyncadd.s32 $0xFFFFC000  }
0x3c: {  	[hbm4b:s22+s2] =	stream.linear.scatter [tilespmem:s10], [sflag:$0x3], $0x4000, $0x38;
	[tilespmem:$0x8300] =	vst v63  }
0x3d: {  	_ =	swait.ge [sflag:s3], $0x4000  }
0x3e: {  	s23 =	sadd.s32 $0xFFFFFFFF, s31;
	[sflag:s3] =	ssyncset.done $0x0  }
.LBB2_1:
0x3f: {  	p0 =	sne.s32 s23, $0x1;
	s23 =	sadd.s32 $0xFFFFFFFF, s23;
	[sflag:s3] =	ssyncadd.s32 $0xFFFFC000  }
0x40: {  	[tilespmem:s2], [sflag:$0x3] =	stream.linear.gather [hbm4b:s4+s2], $0x100, $0x38;
	[tilespmem:$0x8300] =	vst v63  }
0x41: {  	_ =	swait.ge [sflag:s3], $0x100  }
0x42: {  	[sflag:s3] =	ssyncset.done $0x0  }
0x43: {  	[sflag:s3] =	ssyncadd.s32 $0xFFFFFF00  }
0x44: {  	[tilespmem:s6], [sflag:$0x3] =	stream.linear.gather [hbm4b:s5+s2], $0x200, $0x38;
	[tilespmem:$0x8300] =	vst v63  }
0x45: {  	_ =	swait.ge [sflag:s3], $0x200  }
0x46: {  	[sflag:s3] =	ssyncset.done $0x0  }
0x47: {  	[sflag:s3] =	ssyncadd.s32 $0xFFFFFE00  }
0x48: {  	[tilespmem:s9], [sflag:$0x1] =	stream.indirect.gather [hbm4b:s7+s8], $0x80, s2, s8, $0xb8;
	[tilespmem:$0x8300] =	vst v63  }
0x49: {  	_ = 	snop  }
0x4a: {  	[tilespmem:s10], [sflag:$0x2] =	stream.indirect.gather [hbm4b:s7+s8], $0x80, s8, s8, $0xb8;
	[tilespmem:$0x8300] =	vst v63  }
0x4b: {  	_ =	swait.ge [sflag:s11], $0x4000  }
0x4c: {  	[sflag:s11] =	ssyncset.done $0x0  }
0x4d: {  	[sflag:s11] =	ssyncadd.s32 $0xFFFFC000  }
0x4e: {  	[hbm4b:s12+s2] =	stream.linear.scatter [tilespmem:s9], [sflag:$0x3], $0x4000, $0x38;
	[tilespmem:$0x8300] =	vst v63  }
0x4f: {  	_ =	swait.ge [sflag:s3], $0x4000  }
0x50: {  	[sflag:s3] =	ssyncset.done $0x0  }
0x51: {  	[sflag:s3] =	ssyncadd.s32 $0xFFFFC000  }
0x52: {  	[tilespmem:s9], [sflag:$0x1] =	stream.indirect.gather [hbm4b:s13+s8], $0x80, s6, s8, $0xb8;
	[tilespmem:$0x8300] =	vst v63  }
0x53: {  	_ =	swait.ge [sflag:s14], $0x4000  }
0x54: {  	[sflag:s14] =	ssyncset.done $0x0  }
0x55: {  	[sflag:s14] =	ssyncadd.s32 $0xFFFFC000  }
0x56: {  	[hbm4b:s15+s2] =	stream.linear.scatter [tilespmem:s10], [sflag:$0x3], $0x4000, $0x38;
	[tilespmem:$0x8300] =	vst v63  }
0x57: {  	_ =	swait.ge [sflag:s3], $0x4000  }
0x58: {  	[sflag:s3] =	ssyncset.done $0x0  }
0x59: {  	[sflag:s3] =	ssyncadd.s32 $0xFFFFC000  }
0x5a: {  	[tilespmem:s10], [sflag:$0x2] =	stream.indirect.gather [hbm4b:s13+s8], $0x80, s16, s8, $0xb8;
	[tilespmem:$0x8300] =	vst v63  }
0x5b: {  	_ =	swait.ge [sflag:s11], $0x4000  }
0x5c: {  	[sflag:s11] =	ssyncset.done $0x0  }
0x5d: {  	[sflag:s11] =	ssyncadd.s32 $0xFFFFC000  }
0x5e: {  	[hbm4b:s17+s2] =	stream.linear.scatter [tilespmem:s9], [sflag:$0x3], $0x4000, $0x38;
	[tilespmem:$0x8300] =	vst v63  }
0x5f: {  	_ =	swait.ge [sflag:s3], $0x4000  }
0x60: {  	[sflag:s3] =	ssyncset.done $0x0  }
0x61: {  	[sflag:s3] =	ssyncadd.s32 $0xFFFFC000  }
0x62: {  	[tilespmem:s9], [sflag:$0x1] =	stream.indirect.gather [hbm4b:s13+s8], $0x80, s18, s8, $0xb8;
	[tilespmem:$0x8300] =	vst v63  }
0x63: {  	_ =	swait.ge [sflag:s14], $0x4000  }
0x64: {  	[sflag:s14] =	ssyncset.done $0x0  }
0x65: {  	[sflag:s14] =	ssyncadd.s32 $0xFFFFC000  }
0x66: {  	[hbm4b:s19+s2] =	stream.linear.scatter [tilespmem:s10], [sflag:$0x3], $0x4000, $0x38;
	[tilespmem:$0x8300] =	vst v63  }
0x67: {  	_ =	swait.ge [sflag:s3], $0x4000  }
0x68: {  	[sflag:s3] =	ssyncset.done $0x0  }
0x69: {  	[sflag:s3] =	ssyncadd.s32 $0xFFFFC000  }
0x6a: {  	[tilespmem:s10], [sflag:$0x2] =	stream.indirect.gather [hbm4b:s13+s8], $0x80, s20, s8, $0xb8;
	[tilespmem:$0x8300] =	vst v63  }
0x6b: {  	_ =	swait.ge [sflag:s11], $0x4000  }
0x6c: {  	[sflag:s11] =	ssyncset.done $0x0  }
0x6d: {  	[sflag:s11] =	ssyncadd.s32 $0xFFFFC000  }
0x6e: {  	[hbm4b:s21+s2] =	stream.linear.scatter [tilespmem:s9], [sflag:$0x3], $0x4000, $0x38;
	[tilespmem:$0x8300] =	vst v63  }
0x6f: {  	_ =	swait.ge [sflag:s3], $0x4000  }
0x70: {  	[sflag:s3] =	ssyncset.done $0x0  }
0x71: {  	[sflag:s3] =	ssyncadd.s32 $0xFFFFC000  }
0x72: {  	_ =	swait.ge [sflag:s14], $0x4000  }
.Ltmp1:
0x73: {  	[sflag:s14] =	ssyncset.done $0x0;
	(pc) =	sbr.rel @p0 .LBB2_1-.Ltmp1, $4  }
0x74: {  	[sflag:s14] =	ssyncadd.s32 $0xFFFFC000  }
0x75: {  	[hbm4b:s22+s2] =	stream.linear.scatter [tilespmem:s10], [sflag:$0x3], $0x4000, $0x38;
	[tilespmem:$0x8300] =	vst v63  }
0x76: {  	_ =	swait.ge [sflag:s3], $0x4000  }
0x77: {  	[sflag:s3] =	ssyncset.done $0x0  }
.LBB2_2:
0x78: {  	[sflag:s3] =	ssyncadd.s32 $0xFFFFC000  }
0x79: {  	_ =	sfence.sel $0x180000  }
0x7a: {  	[bflag:$0x0] =	sbarrier.arrive $0xFFFF  }
0x7b: {  	p0 =	sne.s32 s0, $0x0;
	_ =	strace $0x9000004A  }
0x7c: {  	s0 =	sadd.s32 @!p0 $0x100000, s1;
	[bflag:$0x2] =	sbarrier.arrive $0xFFFF  }
0x7d: {  	[sflag:s0] =	ssyncadd.tile.s32 @!p0 $0x1;
	_ =	shalt  }
.Lfunc_end2:
_tile_overlayer_lowered:
.L_overlay_start_2:
0x7e: {  	(tag) =	ssettag $0x2  }
0x7f: {  	s0 =	rddreg [dreg:$0x0];
	s2 =	stileid.u32  }
0x80: {  	s1 =	rddreg [dreg:$0x1];
	p0 =	sne.s32 s2, $0x0  }
0x81: {  	s3 =	rddreg [dreg:$0x2];
	[bflag:$0x3] =	sbarrier.arrive $0xFFFF;
	s2 =	simm.s32 @!p0 $0x1C03  }
0x82: {  	[timem:s3], [sflag:s2] =	dma.local @!p0 [hbm:s0], s1  }
0x83: {  	s0 =	simm.s32 @!p0 $0x3  }
0x84: {  	_ =	swait.ge @!p0 [sflag:s0], s1  }
0x85: {  	s1 =	ssub.s32 @!p0 $0x0, s1;
	[sflag:s0] =	ssyncset.done @!p0 $0x0  }
0x86: {  	[sflag:s0] =	ssyncadd.s32 @!p0 s1  }
0x87: {  	[bflag:$0x3] =	sbarrier.arrive $0xFFFF  }
0x88: {  	_ =	shalt  }

// kernel: kernel.13.cloned.1.call-start
scs
__scs_entry_jumppad:
0x0: {  	(pc) =	sbr.rel $0x88, $3  }
0x1: {  	(tag) =	ssettag $0x0;
	lr =	simm.s32 $0x1  }
0x2: {  	[smem:$0x3F89] =	sst lr;
	_ =	strace $0xD0000000  }
0x3: {  	_ = 	snop  }
0x4: {  	_ = 	snop  }
0x5: {  	_ = 	snop  }
0x6: {  	_ = 	snop  }
0x7: {  	_ = 	snop  }
__scs_overlays_trampoline_lowered:
0x8: {  	[smem:$0x3F98] =	sst s0  }
0x9: {  	[smem:$0x3F99] =	sst s1  }
0xa: {  	[smem:$0x3F9A] =	sst s2  }
0xb: {  	[smem:$0x3F9B] =	sst s3  }
0xc: {  	[smem:$0x3F9C] =	sst s4  }
0xd: {  	[smem:$0x3F9D] =	sst s5  }
0xe: {  	[smem:$0x3F9E] =	sst s6  }
0xf: {  	[smem:$0x3F9F] =	sst s7  }
0x10: {  	[smem:$0x3FA0] =	sst s8  }
0x11: {  	[smem:$0x3FA1] =	sst s9;
	s0 =	simm.s32 @!p0 $0x0  }
0x12: {  	s1 =	sld [smem:$0x3F87];
	s0 =	simm.s32 @p0 $0x1  }
0x13: {  	[smem:$0x3FA2] =	sst s0;
	s0 =	simm.s32 @!p1 $0x0  }
0x14: {  	s2 =	sld [smem:$0x3F86];
	s0 =	simm.s32 @p1 $0x1  }
0x15: {  	[smem:$0x3FA3] =	sst s0;
	s0 =	simm.s32 @!p2 $0x0  }
0x16: {  	s3 =	sld [smem:$0x3FDB];
	s0 =	simm.s32 @p2 $0x1  }
0x17: {  	s4 =	simm.s32 $0x1BF5;
	[smem:$0x3FA5] =	sst s0  }
0x18: {  	s0 =	sld [smem:$0x3F88];
	_ =	swait.ge [sflag:s4], $0x0  }
0x19: {  	s7 =	sld [smem:$0x3F89]  }
0x1a: {  	s8 =	sadd.s32 $0xFFFFE003, lr  }
0x1b: {  	s9 =	sadd.s32 $0xFFFFFEF7, lr;
	s5 =	simm.s32 $0xFFFFFFFF;
	p2 =	slt.u32 s8, $0xFFFFF086  }
0x1c: {  	p1 =	slt.u32 s9, $0xF7A;
	s5 =	simm.s32 @!p2 $0x0  }
0x1d: {  	s5 =	simm.s32 @p1 $0x1;
	p0 =	seq.s32 s7, s2  }
0x1e: {  	s7 =	smul.u32 @!p0 $0xF7A, s2;
	p2 =	seq.s32 @!p0 s5, $0x0  }
0x1f: {  	s9 =	smul.u32 $0xF7A, s1;
	s8 =	simm.s32 @!p0 $0x1BF5;
	p2 =	por !p2, p0  }
0x20: {  	[sflag:s8] =	ssyncset.s32 @!p0 $0xFFFFF086;
	s6 =	sadd.s32 @!p0 s3, s7;
	s7 =	simm.s32 @!p0 $0x108  }
0x21: {  	s3 =	sadd.s32 s3, s9;
	s6 =	sadd.s32 @!p0 $0x88, s6;
	s7 =	simm.s32 @p2 $0x1082  }
0x22: {  	[simem:s7], [sflag:s8] =	dma.local @!p0 [hbm:s6], $0xF7A  }
0x23: {  	s9 =	sor.u32 $0xD0000000, s2;
	s6 =	simm.s32 $0x108;
	_ =	swait.ge @!p0 [sflag:s8], $0x0  }
0x24: {  	s3 =	sadd.s32 $0x88, s3;
	s6 =	simm.s32 @!p1 $0x1082;
	[sflag:s4] =	ssyncset.s32 $0xFFFFF086  }
0x25: {  	[simem:s6], [sflag:s4] =	dma.local [hbm:s3], $0xF7A  }
0x26: {  	[smem:$0x3F89] =	sst s1;
	(tag) =	ssettag s2;
	_ =	strace s9  }
0x27: {  	s1 =	sld [smem:$0x3F99]  }
0x28: {  	s2 =	sld [smem:$0x3F9A]  }
0x29: {  	s4 =	sld [smem:$0x3F9C]  }
0x2a: {  	p0 =	seq.s32 s5, $0x0;
	s5 =	sld [smem:$0x3F9D]  }
0x2b: {  	s6 =	sld [smem:$0x3F9E]  }
0x2c: {  	s7 =	sld [smem:$0x3F9F]  }
0x2d: {  	s3 =	simm.s32 $0x108;
	s8 =	sld [smem:$0x3FA0]  }
0x2e: {  	s3 =	simm.s32 @!p0 $0x1082;
	s9 =	sld [smem:$0x3FA1]  }
0x2f: {  	lr =	sadd.s32 s0, s3;
	s0 =	sld [smem:$0x3F98]  }
0x30: {  	s3 =	sld [smem:$0x3F9B]  }
0x31: {  	[smem:$0x3FA4] =	sst s10  }
0x32: {  	s10 =	sld [smem:$0x3FA2];
	_ =	sdelay $0x3  }
0x33: {  	p0 =	seq.s32 s10, $0x1;
	s10 =	sld [smem:$0x3FA4];
	_ =	sdelay $0x3  }
0x34: {  	[smem:$0x3FA4] =	sst s10  }
0x35: {  	s10 =	sld [smem:$0x3FA3];
	_ =	sdelay $0x3  }
0x36: {  	p1 =	seq.s32 s10, $0x1;
	s10 =	sld [smem:$0x3FA4];
	_ =	sdelay $0x3  }
0x37: {  	[smem:$0x3FA4] =	sst s10  }
0x38: {  	s10 =	sld [smem:$0x3FA5]  }
0x39: {  	_ = 	snop;
	(pc) =	sbr.ind lr, $3  }
0x3a: {  	_ = 	snop  }
0x3b: {  	_ = 	snop  }
0x3c: {  	p2 =	seq.s32 s10, $0x1;
	s10 =	sld [smem:$0x3FA4]  }
0x3d: {  	_ =	shalt  }
0x3e: {  	_ =	shalt  }
0x3f: {  	_ =	shalt  }
0x40: {  	_ =	shalt  }
0x41: {  	_ =	shalt  }
0x42: {  	_ =	shalt  }
0x43: {  	_ =	shalt  }
0x44: {  	_ =	shalt  }
0x45: {  	_ =	shalt  }
0x46: {  	_ =	shalt  }
0x47: {  	_ =	shalt  }
0x48: {  	_ =	shalt  }
0x49: {  	_ =	shalt  }
0x4a: {  	_ =	shalt  }
0x4b: {  	_ =	shalt  }
0x4c: {  	_ =	shalt  }
0x4d: {  	_ =	shalt  }
0x4e: {  	_ =	shalt  }
0x4f: {  	_ =	shalt  }
0x50: {  	_ =	shalt  }
0x51: {  	_ =	shalt  }
0x52: {  	_ =	shalt  }
0x53: {  	_ =	shalt  }
0x54: {  	_ =	shalt  }
0x55: {  	_ =	shalt  }
0x56: {  	_ =	shalt  }
0x57: {  	_ =	shalt  }
0x58: {  	_ =	shalt  }
0x59: {  	_ =	shalt  }
0x5a: {  	_ =	shalt  }
0x5b: {  	_ =	shalt  }
0x5c: {  	_ =	shalt  }
0x5d: {  	_ =	shalt  }
0x5e: {  	_ =	shalt  }
0x5f: {  	_ =	shalt  }
0x60: {  	_ =	shalt  }
0x61: {  	_ =	shalt  }
0x62: {  	_ =	shalt  }
0x63: {  	_ =	shalt  }
0x64: {  	_ =	shalt  }
0x65: {  	_ =	shalt  }
0x66: {  	_ =	shalt  }
0x67: {  	_ =	shalt  }
0x68: {  	_ =	shalt  }
0x69: {  	_ =	shalt  }
0x6a: {  	_ =	shalt  }
0x6b: {  	_ =	shalt  }
0x6c: {  	_ =	shalt  }
0x6d: {  	_ =	shalt  }
0x6e: {  	_ =	shalt  }
0x6f: {  	_ =	shalt  }
0x70: {  	_ =	shalt  }
0x71: {  	_ =	shalt  }
0x72: {  	_ =	shalt  }
0x73: {  	_ =	shalt  }
0x74: {  	_ =	shalt  }
0x75: {  	_ =	shalt  }
0x76: {  	_ =	shalt  }
0x77: {  	_ =	shalt  }
0x78: {  	_ =	shalt  }
0x79: {  	_ =	shalt  }
0x7a: {  	_ =	shalt  }
0x7b: {  	_ =	shalt  }
0x7c: {  	_ =	shalt  }
0x7d: {  	_ =	shalt  }
0x7e: {  	_ =	shalt  }
0x7f: {  	_ =	shalt  }
0x80: {  	_ =	shalt  }
0x81: {  	_ =	shalt  }
0x82: {  	_ =	shalt  }
0x83: {  	_ =	shalt  }
0x84: {  	_ =	shalt  }
0x85: {  	_ =	shalt  }
0x86: {  	_ =	shalt  }
0x87: {  	_ =	shalt  }
.Lfunc_end0:
.L_simem_size_0:
called_computation.1_lowered:
.L_overlay_start_0:
0x88: {  	s2 =	sld [smem:$0x3FD9]  }
0x89: {  	s3 =	sld [smem:$0x3FFE];
	_ =	sdelay $0x1  }
0x8a: {  	s1 =	srdreg.scid  }
0x8b: {  	s0 =	sand.u32 $0x1, s1  }
0x8c: {  	s14 =	sshll.u32 s0, $0xA;
	s2 =	sadd.s32 s3, s2  }
0x8d: {  	s2 =	sadd.s32 s2, s14  }
0x8e: {  	[smem:$0x3FB0] =	sst s2  }
0x8f: {  	_ = 	snop  }
0x90: {  	s2 =	sld [smem:$0x3FD0];
	_ =	sdelay $0x2  }
0x91: {  	s15 =	simm.s32 $0xB;
	s4 =	simm.s32 $0x10  }
0x92: {  	[smem:s4], [sflag:s15] =	dma.local [hbm:s2], $0x1  }
0x93: {  	_ =	swait.eq [sflag:s15], $0x1  }
0x94: {  	[sflag:s15] =	ssyncset.done $0x0  }
0x95: {  	[sflag:s15] =	ssyncadd.s32 $0xFFFFFFFF  }
0x96: {  	s16 =	sld [smem:$0x13];
	(tm) =	ssettm $0x1  }
0x97: {  	s17 =	sld [smem:$0x3FFB];
	_ =	sdelay $0x3  }
0x98: {  	_ =	strace s17  }
0x99: {  	s3 =	sld [smem:$0x3FFC];
	_ =	sdelay $0x3  }
0x9a: {  	_ =	strace s3  }
0x9b: {  	s3 =	sld [smem:$0x3FFD];
	_ =	sdelay $0x3  }
0x9c: {  	_ =	strace s3  }
0x9d: {  	_ =	strace $0x8FFFFFFF  }
0x9e: {  	s18 =	sld [smem:$0x3FDB];
	_ =	sdelay $0x1  }
0x9f: {  	s19 =	simm.s32 $_scs_section_size  }
0xa0: {  	s5 =	simm.s32 $_size__tile_overlayer_lowered;
	s6 =	simm.s32 $_tile_overlayer_lowered  }
0xa1: {  	s22 =	simm.s32 $0x1BFF;
	s21 =	sshll.u32 s6, $0x1;
	s3 =	sadd.s32 s19, s18  }
0xa2: {  	s7 =	simm.s32 $0x0;
	s20 =	sshll.u32 s5, $0x1;
	s5 =	sadd.s32 s21, s3  }
0xa3: {  	[timem:s7], [sflag:s22] =	dma.local [hbm:s5], s20  }
0xa4: {  	_ =	swait.ge [sflag:s22], s20  }
0xa5: {  	s4 =	ssub.s32 $0x0, s20;
	[sflag:s22] =	ssyncset.done $0x0  }
0xa6: {  	[sflag:s22] =	ssyncadd.s32 s4;
	_ =	sdelay $0x1  }
0xa7: {  	s23 =	simm.s32 $0x1B8B  }
0xa8: {  	_ =	swait.ge [sflag:s23], $0x1  }
0xa9: {  	[sflag:s23] =	ssyncset.done $0x0  }
0xaa: {  	s25 =	simm.s32 $0x1B8E;
	s24 =	sld [smem:$0x3FFE];
	[sflag:s23] =	ssyncadd.s32 $0xFFFFFFFF  }
0xab: {  	s26 =	simm.s32 $execute0_lowered;
	[smem:$0x3FD2] =	sst s25  }
0xac: {  	s5 =	sshll.u32 s26, $0x1;
	_ =	strace $0x80000046;
	[dreg:$0x1] =	wrdreg $0xFFFFFFFF  }
0xad: {  	s28 =	simm.s32 $_size_execute0_lowered;
	s3 =	sadd.s32 s3, s5;
	[dreg:$0x0] =	wrdreg $0x0  }
0xae: {  	s5 =	sshll.u32 s28, $0x1;
	[dreg:$0x2] =	wrdreg s3  }
0xaf: {  	[dreg:$0x3] =	wrdreg s5  }
0xb0: {  	[dreg:$0x4] =	wrdreg $0xC0  }
0xb1: {  	_ =	task [dreg:s7], $0x5FFFF  }
0xb2: {  	[dreg:$0x1] =	wrdreg $0xFFFFFFFF  }
0xb3: {  	[dreg:$0x0] =	wrdreg $0x60  }
0xb4: {  	[dreg:$0x2] =	wrdreg s24  }
0xb5: {  	[dreg:$0x3] =	wrdreg s16  }
0xb6: {  	[dreg:$0x4] =	wrdreg $0xA  }
0xb7: {  	_ =	task.clear_ibuf [dreg:s7], $0x5FFFF;
	_ =	strace $0x90000046  }
0xb8: {  	s29 =	simm.s32 $0xA;
	_ =	strace $0x80000048  }
0xb9: {  	_ =	swait.ge [sflag:s29], $0x1  }
0xba: {  	[sflag:s29] =	ssyncadd.s32 $0xFFFFFFFF  }
0xbb: {  	_ =	strace $0x90000048  }
0xbc: {  	_ =	sfence  }
0xbd: {  	s30 =	sld [smem:$0x0];
	_ =	sdelay $0x2  }
0xbe: {  	s31 =	sshll.u32 s1, $0xD;
	s1 =	sshrl.u32 s1, $0x2  }
0xbf: {  	s3 =	sand.u32 $0x4000, s31;
	s1 =	sadd.s32 s1, s30  }
0xc0: {  	s0 =	sor.u32 s3, s0;
	s1 =	sshll.u32 s1, $0x11  }
0xc1: {  	s0 =	sor.u32 s1, s0  }
0xc2: {  	s0 =	sadd.s32 $0x8F2B, s0  }
0xc3: {  	[sflag:s0] =	ssyncadd.remote.s32 $0x1  }
0xc4: {  	_ =	sfence.sel $0xFFFF  }
0xc5: {  	[dreg:$0x0] =	wrdreg $0xFFFFFFFF;
	(pc) =	sbr.abs _section_cstart, $3  }
0xc6: {  	[dreg:$0x1] =	wrdreg $0xFFFFFFFF  }
0xc7: {  	_ =	task.clear_ibuf [dreg:s7], $0x2FFFF;
	_ =	strace $0x9FFFFFFF  }
0xc8: {  	(tm) =	ssettm $0x7FFFFFFF  }
0xc9: {  	_ =	shalt  }
tec
execute0_lowered:
.L_overlay_start_1:
0x0: {  	(tag) =	ssettag $0x1  }
0x1: {  	s1 =	srdreg.scid;
	s0 =	stileid.u32  }
0x2: {  	s17 =	rddreg [dreg:$0x0];
	s22 =	sand.u32 $0x1, s1;
	s30 =	sshll.u32 s0, $0x1  }
0x3: {  	s5 =	rddreg [dreg:$0x1];
	s18 =	sor.u32 s22, s30  }
0x4: {  	s2 =	simm.s32 $0x0;
	s1 =	rddreg [dreg:$0x2];
	s3 =	sshll.u32 s18, $0x5  }
0x5: {  	[smem:$0x7FF] =	sst s2;
	s3 =	sadd.s32 s3, s17  }
0x6: {  	_ =	strace $0x80000047;
	s4 =	sadd.s32 $0x85000, s3;
	s3 =	simm.s32 $0x3  }
0x7: {  	[tilespmem:s2], [sflag:$0x3] =	stream.linear.gather [hbm4b:s4+s2], $0x100, $0x38;
	[tilespmem:$0x8300] =	vst v63  }
0x8: {  	_ =	swait.ge [sflag:s3], $0x100  }
0x9: {  	s6 =	sshll.u32 s18, $0x6;
	[sflag:s3] =	ssyncset.done $0x0  }
0xa: {  	s5 =	sadd.s32 s5, s6;
	s6 =	simm.s32 $0x100;
	[sflag:s3] =	ssyncadd.s32 $0xFFFFFF00  }
0xb: {  	[tilespmem:s6], [sflag:$0x3] =	stream.linear.gather [hbm4b:s5+s2], $0x200, $0x38;
	[tilespmem:$0x8300] =	vst v63  }
0xc: {  	_ =	swait.ge [sflag:s3], $0x200  }
0xd: {  	s8 =	simm.s32 $0x80;
	[sflag:s3] =	ssyncset.done $0x0  }
0xe: {  	s9 =	simm.s32 $0x300;
	s7 =	sadd.s32 $0x5000, s17;
	[sflag:s3] =	ssyncadd.s32 $0xFFFFFE00  }
0xf: {  	[tilespmem:s9], [sflag:$0x1] =	stream.indirect.gather [hbm4b:s7+s8], $0x80, s2, s8, $0xb8;
	[tilespmem:$0x8300] =	vst v63  }
0x10: {  	s10 =	simm.s32 $0x4300;
	s11 =	simm.s32 $0x1  }
0x11: {  	[tilespmem:s10], [sflag:$0x2] =	stream.indirect.gather [hbm4b:s7+s8], $0x80, s8, s8, $0xb8;
	[tilespmem:$0x8300] =	vst v63  }
0x12: {  	s12 =	sshll.u32 s18, $0xC;
	_ =	swait.ge [sflag:s11], $0x4000  }
0x13: {  	s15 =	sadd.s32 s12, s17;
	[sflag:s11] =	ssyncset.done $0x0  }
0x14: {  	s12 =	sadd.s32 $0x145400, s15;
	[sflag:s11] =	ssyncadd.s32 $0xFFFFC000  }
0x15: {  	[hbm4b:s12+s2] =	stream.linear.scatter [tilespmem:s9], [sflag:$0x3], $0x4000, $0x38;
	[tilespmem:$0x8300] =	vst v63  }
0x16: {  	_ =	swait.ge [sflag:s3], $0x4000  }
0x17: {  	[sflag:s3] =	ssyncset.done $0x0  }
0x18: {  	s14 =	simm.s32 $0x2;
	s13 =	sadd.s32 $0x85400, s17;
	[sflag:s3] =	ssyncadd.s32 $0xFFFFC000  }
0x19: {  	[tilespmem:s9], [sflag:$0x1] =	stream.indirect.gather [hbm4b:s13+s8], $0x80, s6, s8, $0xb8;
	[tilespmem:$0x8300] =	vst v63  }
0x1a: {  	_ =	swait.ge [sflag:s14], $0x4000  }
0x1b: {  	[sflag:s14] =	ssyncset.done $0x0  }
0x1c: {  	s15 =	sadd.s32 $0x145C00, s15;
	[sflag:s14] =	ssyncadd.s32 $0xFFFFC000  }
0x1d: {  	[hbm4b:s15+s2] =	stream.linear.scatter [tilespmem:s10], [sflag:$0x3], $0x4000, $0x38;
	[tilespmem:$0x8300] =	vst v63  }
0x1e: {  	_ =	swait.ge [sflag:s3], $0x4000  }
0x1f: {  	[sflag:s3] =	ssyncset.done $0x0  }
0x20: {  	s16 =	simm.s32 $0x180;
	[sflag:s3] =	ssyncadd.s32 $0xFFFFC000  }
0x21: {  	[tilespmem:s10], [sflag:$0x2] =	stream.indirect.gather [hbm4b:s13+s8], $0x80, s16, s8, $0xb8;
	[tilespmem:$0x8300] =	vst v63  }
0x22: {  	s18 =	sshll.u32 s18, $0xD;
	_ =	swait.ge [sflag:s11], $0x4000  }
0x23: {  	s23 =	sadd.s32 s18, s17;
	[sflag:s11] =	ssyncset.done $0x0  }
0x24: {  	s17 =	sadd.s32 $0x105400, s23;
	[sflag:s11] =	ssyncadd.s32 $0xFFFFC000  }
0x25: {  	[hbm4b:s17+s2] =	stream.linear.scatter [tilespmem:s9], [sflag:$0x3], $0x4000, $0x38;
	[tilespmem:$0x8300] =	vst v63  }
0x26: {  	_ =	swait.ge [sflag:s3], $0x4000  }
0x27: {  	[sflag:s3] =	ssyncset.done $0x0  }
0x28: {  	s18 =	simm.s32 $0x200;
	[sflag:s3] =	ssyncadd.s32 $0xFFFFC000  }
0x29: {  	[tilespmem:s9], [sflag:$0x1] =	stream.indirect.gather [hbm4b:s13+s8], $0x80, s18, s8, $0xb8;
	[tilespmem:$0x8300] =	vst v63  }
0x2a: {  	_ =	swait.ge [sflag:s14], $0x4000  }
0x2b: {  	[sflag:s14] =	ssyncset.done $0x0  }
0x2c: {  	s19 =	sadd.s32 $0x105C00, s23;
	[sflag:s14] =	ssyncadd.s32 $0xFFFFC000  }
0x2d: {  	[hbm4b:s19+s2] =	stream.linear.scatter [tilespmem:s10], [sflag:$0x3], $0x4000, $0x38;
	[tilespmem:$0x8300] =	vst v63  }
0x2e: {  	_ =	swait.ge [sflag:s3], $0x4000  }
0x2f: {  	[sflag:s3] =	ssyncset.done $0x0  }
0x30: {  	s20 =	simm.s32 $0x280;
	[sflag:s3] =	ssyncadd.s32 $0xFFFFC000  }
0x31: {  	[tilespmem:s10], [sflag:$0x2] =	stream.indirect.gather [hbm4b:s13+s8], $0x80, s20, s8, $0xb8;
	[tilespmem:$0x8300] =	vst v63  }
0x32: {  	_ =	swait.ge [sflag:s11], $0x4000  }
0x33: {  	[sflag:s11] =	ssyncset.done $0x0  }
0x34: {  	s22 =	ssub.s32 $0x2, s22;
	s21 =	sadd.s32 $0x106400, s23;
	[sflag:s11] =	ssyncadd.s32 $0xFFFFC000  }
0x35: {  	[hbm4b:s21+s2] =	stream.linear.scatter [tilespmem:s9], [sflag:$0x3], $0x4000, $0x38;
	[tilespmem:$0x8300] =	vst v63  }
0x36: {  	s24 =	sshrl.u32 s22, $0x1;
	_ =	swait.ge [sflag:s3], $0x4000  }
0x37: {  	s24 =	ssub.s32 s22, s24;
	[sflag:s3] =	ssyncset.done $0x0  }
0x38: {  	s31 =	smax.u32 s24, $0x1;
	[sflag:s3] =	ssyncadd.s32 $0xFFFFC000  }
0x39: {  	p0 =	sne.s32 s31, $0x1;
	_ =	swait.ge [sflag:s14], $0x4000  }
.Ltmp0:
0x3a: {  	[sflag:s14] =	ssyncset.done $0x0;
	(pc) =	sbr.rel @!p0 .LBB2_2-.Ltmp0, $4  }
0x3b: {  	s22 =	sadd.s32 $0x106C00, s23;
	[sflag:s14] =	ssyncadd.s32 $0xFFFFC000  }
0x3c: {  	[hbm4b:s22+s2] =	stream.linear.scatter [tilespmem:s10], [sflag:$0x3], $0x4000, $0x38;
	[tilespmem:$0x8300] =	vst v63  }
0x3d: {  	_ =	swait.ge [sflag:s3], $0x4000  }
0x3e: {  	s23 =	sadd.s32 $0xFFFFFFFF, s31;
	[sflag:s3] =	ssyncset.done $0x0  }
.LBB2_1:
0x3f: {  	p0 =	sne.s32 s23, $0x1;
	s23 =	sadd.s32 $0xFFFFFFFF, s23;
	[sflag:s3] =	ssyncadd.s32 $0xFFFFC000  }
0x40: {  	[tilespmem:s2], [sflag:$0x3] =	stream.linear.gather [hbm4b:s4+s2], $0x100, $0x38;
	[tilespmem:$0x8300] =	vst v63  }
0x41: {  	_ =	swait.ge [sflag:s3], $0x100  }
0x42: {  	[sflag:s3] =	ssyncset.done $0x0  }
0x43: {  	[sflag:s3] =	ssyncadd.s32 $0xFFFFFF00  }
0x44: {  	[tilespmem:s6], [sflag:$0x3] =	stream.linear.gather [hbm4b:s5+s2], $0x200, $0x38;
	[tilespmem:$0x8300] =	vst v63  }
0x45: {  	_ =	swait.ge [sflag:s3], $0x200  }
0x46: {  	[sflag:s3] =	ssyncset.done $0x0  }
0x47: {  	[sflag:s3] =	ssyncadd.s32 $0xFFFFFE00  }
0x48: {  	[tilespmem:s9], [sflag:$0x1] =	stream.indirect.gather [hbm4b:s7+s8], $0x80, s2, s8, $0xb8;
	[tilespmem:$0x8300] =	vst v63  }
0x49: {  	_ = 	snop  }
0x4a: {  	[tilespmem:s10], [sflag:$0x2] =	stream.indirect.gather [hbm4b:s7+s8], $0x80, s8, s8, $0xb8;
	[tilespmem:$0x8300] =	vst v63  }
0x4b: {  	_ =	swait.ge [sflag:s11], $0x4000  }
0x4c: {  	[sflag:s11] =	ssyncset.done $0x0  }
0x4d: {  	[sflag:s11] =	ssyncadd.s32 $0xFFFFC000  }
0x4e: {  	[hbm4b:s12+s2] =	stream.linear.scatter [tilespmem:s9], [sflag:$0x3], $0x4000, $0x38;
	[tilespmem:$0x8300] =	vst v63  }
0x4f: {  	_ =	swait.ge [sflag:s3], $0x4000  }
0x50: {  	[sflag:s3] =	ssyncset.done $0x0  }
0x51: {  	[sflag:s3] =	ssyncadd.s32 $0xFFFFC000  }
0x52: {  	[tilespmem:s9], [sflag:$0x1] =	stream.indirect.gather [hbm4b:s13+s8], $0x80, s6, s8, $0xb8;
	[tilespmem:$0x8300] =	vst v63  }
0x53: {  	_ =	swait.ge [sflag:s14], $0x4000  }
0x54: {  	[sflag:s14] =	ssyncset.done $0x0  }
0x55: {  	[sflag:s14] =	ssyncadd.s32 $0xFFFFC000  }
0x56: {  	[hbm4b:s15+s2] =	stream.linear.scatter [tilespmem:s10], [sflag:$0x3], $0x4000, $0x38;
	[tilespmem:$0x8300] =	vst v63  }
0x57: {  	_ =	swait.ge [sflag:s3], $0x4000  }
0x58: {  	[sflag:s3] =	ssyncset.done $0x0  }
0x59: {  	[sflag:s3] =	ssyncadd.s32 $0xFFFFC000  }
0x5a: {  	[tilespmem:s10], [sflag:$0x2] =	stream.indirect.gather [hbm4b:s13+s8], $0x80, s16, s8, $0xb8;
	[tilespmem:$0x8300] =	vst v63  }
0x5b: {  	_ =	swait.ge [sflag:s11], $0x4000  }
0x5c: {  	[sflag:s11] =	ssyncset.done $0x0  }
0x5d: {  	[sflag:s11] =	ssyncadd.s32 $0xFFFFC000  }
0x5e: {  	[hbm4b:s17+s2] =	stream.linear.scatter [tilespmem:s9], [sflag:$0x3], $0x4000, $0x38;
	[tilespmem:$0x8300] =	vst v63  }
0x5f: {  	_ =	swait.ge [sflag:s3], $0x4000  }
0x60: {  	[sflag:s3] =	ssyncset.done $0x0  }
0x61: {  	[sflag:s3] =	ssyncadd.s32 $0xFFFFC000  }
0x62: {  	[tilespmem:s9], [sflag:$0x1] =	stream.indirect.gather [hbm4b:s13+s8], $0x80, s18, s8, $0xb8;
	[tilespmem:$0x8300] =	vst v63  }
0x63: {  	_ =	swait.ge [sflag:s14], $0x4000  }
0x64: {  	[sflag:s14] =	ssyncset.done $0x0  }
0x65: {  	[sflag:s14] =	ssyncadd.s32 $0xFFFFC000  }
0x66: {  	[hbm4b:s19+s2] =	stream.linear.scatter [tilespmem:s10], [sflag:$0x3], $0x4000, $0x38;
	[tilespmem:$0x8300] =	vst v63  }
0x67: {  	_ =	swait.ge [sflag:s3], $0x4000  }
0x68: {  	[sflag:s3] =	ssyncset.done $0x0  }
0x69: {  	[sflag:s3] =	ssyncadd.s32 $0xFFFFC000  }
0x6a: {  	[tilespmem:s10], [sflag:$0x2] =	stream.indirect.gather [hbm4b:s13+s8], $0x80, s20, s8, $0xb8;
	[tilespmem:$0x8300] =	vst v63  }
0x6b: {  	_ =	swait.ge [sflag:s11], $0x4000  }
0x6c: {  	[sflag:s11] =	ssyncset.done $0x0  }
0x6d: {  	[sflag:s11] =	ssyncadd.s32 $0xFFFFC000  }
0x6e: {  	[hbm4b:s21+s2] =	stream.linear.scatter [tilespmem:s9], [sflag:$0x3], $0x4000, $0x38;
	[tilespmem:$0x8300] =	vst v63  }
0x6f: {  	_ =	swait.ge [sflag:s3], $0x4000  }
0x70: {  	[sflag:s3] =	ssyncset.done $0x0  }
0x71: {  	[sflag:s3] =	ssyncadd.s32 $0xFFFFC000  }
0x72: {  	_ =	swait.ge [sflag:s14], $0x4000  }
.Ltmp1:
0x73: {  	[sflag:s14] =	ssyncset.done $0x0;
	(pc) =	sbr.rel @p0 .LBB2_1-.Ltmp1, $4  }
0x74: {  	[sflag:s14] =	ssyncadd.s32 $0xFFFFC000  }
0x75: {  	[hbm4b:s22+s2] =	stream.linear.scatter [tilespmem:s10], [sflag:$0x3], $0x4000, $0x38;
	[tilespmem:$0x8300] =	vst v63  }
0x76: {  	_ =	swait.ge [sflag:s3], $0x4000  }
0x77: {  	[sflag:s3] =	ssyncset.done $0x0  }
.LBB2_2:
0x78: {  	[sflag:s3] =	ssyncadd.s32 $0xFFFFC000  }
0x79: {  	_ =	sfence.sel $0x180000  }
0x7a: {  	[bflag:$0x0] =	sbarrier.arrive $0xFFFF  }
0x7b: {  	p0 =	sne.s32 s0, $0x0;
	_ =	strace $0x90000047  }
0x7c: {  	s0 =	sadd.s32 @!p0 $0x100000, s1;
	[bflag:$0x2] =	sbarrier.arrive $0xFFFF  }
0x7d: {  	[sflag:s0] =	ssyncadd.tile.s32 @!p0 $0x1;
	_ =	shalt  }
.Lfunc_end2:
_tile_overlayer_lowered:
.L_overlay_start_2:
0x7e: {  	(tag) =	ssettag $0x2  }
0x7f: {  	s0 =	rddreg [dreg:$0x0];
	s2 =	stileid.u32  }
0x80: {  	s1 =	rddreg [dreg:$0x1];
	p0 =	sne.s32 s2, $0x0  }
0x81: {  	s3 =	rddreg [dreg:$0x2];
	[bflag:$0x3] =	sbarrier.arrive $0xFFFF;
	s2 =	simm.s32 @!p0 $0x1C03  }
0x82: {  	[timem:s3], [sflag:s2] =	dma.local @!p0 [hbm:s0], s1  }
0x83: {  	s0 =	simm.s32 @!p0 $0x3  }
0x84: {  	_ =	swait.ge @!p0 [sflag:s0], s1  }
0x85: {  	s1 =	ssub.s32 @!p0 $0x0, s1;
	[sflag:s0] =	ssyncset.done @!p0 $0x0  }
0x86: {  	[sflag:s0] =	ssyncadd.s32 @!p0 s1  }
0x87: {  	[bflag:$0x3] =	sbarrier.arrive $0xFFFF  }
0x88: {  	_ =	shalt  }

</sc_bundles>
